<compile_context>
chip_gen: v7x
topology: tpu7x:2x2x1
jax: 0.10.2.dev20260603
libtpu: 0.0.44.dev20260713+nightly
codegen_flags: <defaults>
</compile_context>

<pallas_src>
import dataclasses
import functools

import jax
import jax.numpy as jnp
from jax import lax
from jax.experimental import pallas as pl
from jax.experimental.pallas import tpu as pltpu
from jax.experimental.pallas import tpu_sc as plsc

N = 10000
D = 128
E = 320000
NC = 2
NS = 16
NW = NC * NS
EPW = E // NW
CHUNK = 80
NCHUNK = EPW // CHUNK
NPAD = 10240
RPS = NPAD // NS
PR = NPAD // 128
NBUF = 2

_MESH = plsc.VectorSubcoreMesh(core_axis_name="c", subcore_axis_name="s")


def _make_sc_sums(with_hist):

    def body(x_hbm, src_hbm, dst_hbm, z_hbm, id_hbm, psum_hbm, pcnt_hbm,
             didx_all, sidx, rows, acc, hist, iid, cacc, isem, gsem, ssem):
        cid = lax.axis_index("c")
        sid = lax.axis_index("s")
        wid = sid * NC + cid
        r0 = sid * RPS
        pltpu.sync_copy(z_hbm.at[pl.ds(r0, RPS)], acc.at[pl.ds(r0, RPS)])
        pltpu.sync_copy(dst_hbm.at[wid], didx_all)
        if with_hist:
            pltpu.sync_copy(z_hbm.at[pl.ds(0, PR)], hist)
            pltpu.sync_copy(id_hbm.at[0], iid)

            @pl.when(sid == 0)
            def _():
                pltpu.sync_copy(z_hbm.at[pl.ds(0, PR)], cacc)
        plsc.subcore_barrier()

        ones16 = jnp.full((16,), 1.0, jnp.float32)

        def step(c, b):
            pltpu.make_async_copy(x_hbm.at[sidx[b].at[0]], rows[b],
                                  gsem[b]).wait()
            pltpu.async_copy(rows[b], acc.at[didx_all.at[c]], ssem[b],
                             add=True)

            @pl.when(c + NBUF < NCHUNK)
            def _():
                pltpu.async_copy(src_hbm.at[wid, c + NBUF], sidx[b], isem[b])

            if with_hist:
                @pl.loop(0, CHUNK, step=16)
                def _(k0):
                    v = didx_all[c, pl.ds(k0, 16)]
                    plsc.addupdate_scatter(
                        hist, [lax.shift_right_logical(v, 7),
                               lax.bitwise_and(v, 127)], ones16)

            b1 = (b + 1) % NBUF

            @pl.when(c + 1 < NCHUNK)
            def _():
                @pl.when(c + 1 >= NBUF)
                def _():
                    pltpu.make_async_copy(rows[b1],
                                          acc.at[didx_all.at[c + 1 - NBUF]],
                                          ssem[b1]).wait()
                pltpu.make_async_copy(src_hbm.at[wid, c + 1], sidx[b1],
                                      isem[b1]).wait()
                pltpu.async_copy(x_hbm.at[sidx[b1].at[0]], rows[b1], gsem[b1])

        for k in range(NBUF):
            pltpu.async_copy(src_hbm.at[wid, k], sidx[k], isem[k])
        pltpu.make_async_copy(src_hbm.at[wid, 0], sidx[0], isem[0]).wait()
        pltpu.async_copy(x_hbm.at[sidx[0].at[0]], rows[0], gsem[0])

        NMAIN = (NCHUNK // NBUF) * NBUF

        @pl.loop(0, NMAIN, step=NBUF)
        def _(t):
            for k in range(NBUF):
                step(t + k, k)

        for c in range(NMAIN, NCHUNK):
            @pl.loop(c, c + 1)
            def _(ct, _b=c % NBUF):
                step(ct, _b)

        for c in range(NCHUNK - NBUF, NCHUNK):
            @pl.loop(c, c + 1)
            def _(ct, _b=c % NBUF):
                pltpu.make_async_copy(rows[_b], acc.at[didx_all.at[ct]],
                                      ssem[_b]).wait()

        if with_hist:
            pltpu.sync_copy(hist, cacc.at[iid], add=True)

        plsc.subcore_barrier()
        pltpu.sync_copy(acc.at[pl.ds(r0, RPS)],
                        psum_hbm.at[cid, pl.ds(r0, RPS)])
        if with_hist:
            @pl.when(sid == 0)
            def _():
                pltpu.sync_copy(cacc, pcnt_hbm.at[cid])

    out_type = [jax.ShapeDtypeStruct((NC, NPAD, D), jnp.float32)]
    if with_hist:
        out_type.append(jax.ShapeDtypeStruct((NC, PR, 128), jnp.float32))
    hp = PR if with_hist else 8
    scratch = (
        [pltpu.VMEM((NCHUNK, CHUNK), jnp.int32)]
        + [pltpu.VMEM((1, CHUNK), jnp.int32)] * NBUF
        + [pltpu.VMEM((CHUNK, D), jnp.float32)] * NBUF
        + [pltpu.VMEM_SHARED((NPAD, D), jnp.float32)]
        + [pltpu.VMEM((hp, 128), jnp.float32),
           pltpu.VMEM((hp,), jnp.int32),
           pltpu.VMEM_SHARED((hp, 128), jnp.float32)]
        + [pltpu.SemaphoreType.DMA] * (3 * NBUF)
    )
    cp = pltpu.CompilerParams()
    if with_hist and (
            "needs_layout_passes" in pltpu.CompilerParams.__dataclass_fields__):
        cp = dataclasses.replace(cp, needs_layout_passes=False)

    def fn(x_hbm, src_hbm, dst_hbm, z_hbm, id_hbm, *rest):
        psum_hbm = rest[0]
        rest = rest[1:]
        if with_hist:
            pcnt_hbm = rest[0]
            rest = rest[1:]
        else:
            pcnt_hbm = None
        didx_all = rest[0]
        sidx = rest[1:1 + NBUF]
        rows = rest[1 + NBUF:1 + 2 * NBUF]
        acc, hist, iid, cacc = rest[1 + 2 * NBUF:5 + 2 * NBUF]
        sems = rest[5 + 2 * NBUF:]
        isem = sems[0:NBUF]
        gsem = sems[NBUF:2 * NBUF]
        ssem = sems[2 * NBUF:3 * NBUF]
        body(x_hbm, src_hbm, dst_hbm, z_hbm, id_hbm, psum_hbm, pcnt_hbm,
             didx_all, sidx, rows, acc, hist, iid, cacc, isem, gsem, ssem)

    return pl.kernel(fn, mesh=_MESH, out_type=out_type,
                     scratch_types=scratch, compiler_params=cp)


_sc_sums_hist = _make_sc_sums(True)
_sc_sums = _make_sc_sums(False)

BLK = 1024


def _tc_layer_body(relu, p_ref, pc_ref, x_ref, wl_ref, wr_ref, b_ref, o_ref):
    s = p_ref[0] + p_ref[1]
    cw = pc_ref[0] + pc_ref[1]
    rep = jnp.broadcast_to(cw[:, None, :], (BLK // 128, 128, 128))
    rep = rep.reshape(BLK, 128)
    row_mod = lax.broadcasted_iota(jnp.int32, (BLK, 128), 0) % 128
    lane = lax.broadcasted_iota(jnp.int32, (BLK, 128), 1)
    cnt = jnp.sum(jnp.where(row_mod == lane, rep, 0.0), axis=1, keepdims=True)
    mean = s / jnp.maximum(cnt, 1.0)
    acc = lax.dot_general(mean, wl_ref[...], (((1,), (1,)), ((), ())),
                          preferred_element_type=jnp.float32)
    acc += lax.dot_general(x_ref[...], wr_ref[...], (((1,), (1,)), ((), ())),
                           preferred_element_type=jnp.float32)
    acc += b_ref[...]
    o_ref[...] = jnp.maximum(acc, 0.0) if relu else acc


def _tc_layer(psum, pcnt, x, Wl, Wr, b, relu):
    grid = (NPAD // BLK,)
    return pl.pallas_call(
        functools.partial(_tc_layer_body, relu),
        grid=grid,
        in_specs=[
            pl.BlockSpec((NC, BLK, D), lambda i: (0, i, 0)),
            pl.BlockSpec((NC, BLK // 128, 128), lambda i: (0, i, 0)),
            pl.BlockSpec((BLK, D), lambda i: (i, 0)),
            pl.BlockSpec((D, D), lambda i: (0, 0)),
            pl.BlockSpec((D, D), lambda i: (0, 0)),
            pl.BlockSpec((1, D), lambda i: (0, 0)),
        ],
        out_specs=pl.BlockSpec((BLK, D), lambda i: (i, 0)),
        out_shape=jax.ShapeDtypeStruct((N, D), jnp.float32),
    )(psum, pcnt, x, Wl, Wr, b.reshape(1, D))


def kernel(x, edge_index, W1l, W1r, b1, W2l, W2r, b2):
    ei = edge_index.astype(jnp.int32)
    src = ei[0].reshape(NW, NCHUNK, 1, CHUNK)
    dst = ei[1].reshape(NW, NCHUNK, CHUNK)
    zeros = jnp.zeros((NPAD, D), jnp.float32)
    ident = jnp.arange(PR, dtype=jnp.int32).reshape(1, PR)

    psum1, pcnt = _sc_sums_hist(x, src, dst, zeros, ident)
    h = _tc_layer(psum1, pcnt, x, W1l, W1r, b1, relu=True)
    (psum2,) = _sc_sums(h, src, dst, zeros, ident)
    out = _tc_layer(psum2, pcnt, h, W2l, W2r, b2, relu=False)
    return out

# --- scband reference (transcript-rebuilt; emitter-appended) ---
"""Pipeline reference for scband-graph-sagemodel-47571057770997 (READ-ONLY COPY).

The authoritative reference and input builder live on the scoring server;
editing this copy changes nothing except your own understanding.
"""

import jax, jax.numpy as jnp
import numpy as np

N_NODES = 10000
N_EDGES = 320000
D_IN = 128
D_HID = 128
D_OUT = 128

def setup_inputs(seed: int = 0) -> dict:
    key = jax.random.key(seed)
    ks = jax.random.split(key, 8)
    x = jax.random.normal(ks[0], (N_NODES, D_IN), dtype=jnp.float32)
    edge_index = jax.random.randint(ks[1], (2, N_EDGES), 0, N_NODES, dtype=jnp.int64)
    s1 = 1.0 / np.sqrt(D_IN)
    s2 = 1.0 / np.sqrt(D_HID)
    W1l = jax.random.uniform(ks[2], (D_HID, D_IN), minval=-s1, maxval=s1, dtype=jnp.float32)
    W1r = jax.random.uniform(ks[3], (D_HID, D_IN), minval=-s1, maxval=s1, dtype=jnp.float32)
    b1 = jnp.zeros((D_HID,), dtype=jnp.float32)
    W2l = jax.random.uniform(ks[4], (D_OUT, D_HID), minval=-s2, maxval=s2, dtype=jnp.float32)
    W2r = jax.random.uniform(ks[5], (D_OUT, D_HID), minval=-s2, maxval=s2, dtype=jnp.float32)
    b2 = jnp.zeros((D_OUT,), dtype=jnp.float32)
    return {"x": x, "edge_index": edge_index, "W1l": W1l, "W1r": W1r, "b1": b1, "W2l": W2l, "W2r": W2r, "b2": b2}

def _sage_conv(x, edge_index, Wl, Wr, b):
    # PyG SAGEConv with mean aggregation:
    # out = lin_l(mean_{j in N(i)} x_j) + lin_r(x_i)
    src = edge_index[0]
    dst = edge_index[1]
    msg = jnp.take(x, src, axis=0)                                   # gather [E, d]
    summed = jax.ops.segment_sum(msg, dst, num_segments=N_NODES)     # scatter-add [N, d]
    ones = jnp.ones((edge_index.shape[1],), dtype=x.dtype)
    cnt = jax.ops.segment_sum(ones, dst, num_segments=N_NODES)       # in-degree
    mean = summed / jnp.maximum(cnt, 1.0)[:, None]
    return mean @ Wl.T + x @ Wr.T + b

def reference(x, edge_index, W1l, W1r, b1, W2l, W2r, b2):
    h = _sage_conv(x, edge_index, W1l, W1r, b1)
    h = jax.nn.relu(h)
    out = _sage_conv(h, edge_index, W2l, W2r, b2)
    return out

if __name__ == "__main__":
    import jax
    _d = setup_inputs()
    print(jax.jit(kernel)(*tuple(_d.values())))

</pallas_src>

<mosaic_0001>
#map = affine_map<(d0, d1) -> (0, 0)>
#map1 = affine_map<(d0, d1) -> (0, 0, 0, 0)>
#map2 = affine_map<(d0, d1) -> (0, 0, 0)>
module attributes {stable_mosaic.version = 14 : i64} {
  func.func @fn(%arg0: i32, %arg1: i32, %arg2: memref<10000x128xf32, #tpu.memory_space<hbm>>, %arg3: memref<32x125x1x80xi32, #tpu.memory_space<hbm>>, %arg4: memref<32x125x80xi32, #tpu.memory_space<hbm>>, %arg5: memref<10240x128xf32, #tpu.memory_space<hbm>>, %arg6: memref<1x80xi32, #tpu.memory_space<hbm>>, %arg7: memref<2x10240x128xf32, #tpu.memory_space<hbm>>, %arg8: memref<2x80x128xf32, #tpu.memory_space<hbm>>, %arg9: memref<125x80xi32, #tpu.memory_space<vmem>>, %arg10: memref<1x80xi32, #tpu.memory_space<vmem>>, %arg11: memref<1x80xi32, #tpu.memory_space<vmem>>, %arg12: memref<80x128xf32, #tpu.memory_space<vmem>>, %arg13: memref<80x128xf32, #tpu.memory_space<vmem>>, %arg14: memref<10240x128xf32, #tpu.memory_space<vmem_shared>>, %arg15: memref<80x128xf32, #tpu.memory_space<vmem>>, %arg16: memref<80xi32, #tpu.memory_space<vmem>>, %arg17: memref<80x128xf32, #tpu.memory_space<vmem_shared>>, %arg18: memref<!tpu.dma_semaphore, #tpu.memory_space<semaphore_mem>>, %arg19: memref<!tpu.dma_semaphore, #tpu.memory_space<semaphore_mem>>, %arg20: memref<!tpu.dma_semaphore, #tpu.memory_space<semaphore_mem>>, %arg21: memref<!tpu.dma_semaphore, #tpu.memory_space<semaphore_mem>>, %arg22: memref<!tpu.dma_semaphore, #tpu.memory_space<semaphore_mem>>, %arg23: memref<!tpu.dma_semaphore, #tpu.memory_space<semaphore_mem>>) attributes {dimension_semantics = [#tpu.dimension_semantics<core_parallel>, #tpu.dimension_semantics<subcore_parallel>], iteration_bounds = array<i64: 2, 16>, scalar_prefetch = 0 : i64, scratch_operands = 15 : i64, tpu.core_type = #tpu.core_type<sc_vector_subcore>, window_params = [{transform_indices = #map}, {transform_indices = #map1}, {transform_indices = #map2}, {transform_indices = #map}, {transform_indices = #map}, {transform_indices = #map2}, {transform_indices = #map2}]} {
    %mul3A = arith.constant 2 : i32
    %mul3A_0 = arith.muli %arg1, %mul3A : i32
    %add3A = arith.addi %mul3A_0, %arg0 : i32
    %mul3A_1 = arith.constant 640 : i32
    %mul3A_2 = arith.muli %arg1, %mul3A_1 : i32
    "tpu.region"() ({
      %run_scoped3A_109 = tpu.sem_alloc : memref<!tpu.dma_semaphore, #tpu.memory_space<semaphore_mem>>
      %dma_start3A_110 = arith.constant 0 : i32
      %dma_start3A_111 = tpu.memref_slice %arg14[%mul3A_2, %dma_start3A_110] : memref<10240x128xf32, #tpu.memory_space<vmem_shared>> -> memref<640x128xf32, #tpu.memory_space<vmem_shared>>
      %dma_start3A_112 = arith.constant 0 : i32
      %dma_start3A_113 = tpu.memref_slice %arg5[%mul3A_2, %dma_start3A_112] : memref<10240x128xf32, #tpu.memory_space<hbm>> -> memref<640x128xf32, #tpu.memory_space<hbm>>
      tpu.enqueue_dma source(%dma_start3A_113 : memref<640x128xf32, #tpu.memory_space<hbm>>) target(%dma_start3A_111 : memref<640x128xf32, #tpu.memory_space<vmem_shared>>) target_semaphore(%run_scoped3A_109 : memref<!tpu.dma_semaphore, #tpu.memory_space<semaphore_mem>>)
      %dma_wait3A_114 = arith.constant 0 : i32
      %dma_wait3A_115 = tpu.memref_slice %arg14[%mul3A_2, %dma_wait3A_114] : memref<10240x128xf32, #tpu.memory_space<vmem_shared>> -> memref<640x128xf32, #tpu.memory_space<vmem_shared>>
      %dma_wait3A_116 = arith.constant 0 : i32
      %dma_wait3A_117 = tpu.memref_slice %arg5[%mul3A_2, %dma_wait3A_116] : memref<10240x128xf32, #tpu.memory_space<hbm>> -> memref<640x128xf32, #tpu.memory_space<hbm>>
      tpu.wait_dma2 semaphore(%run_scoped3A_109 : memref<!tpu.dma_semaphore, #tpu.memory_space<semaphore_mem>>) src(%dma_wait3A_117 : memref<640x128xf32, #tpu.memory_space<hbm>>) dst(%dma_wait3A_115 : memref<640x128xf32, #tpu.memory_space<vmem_shared>>)
      tpu.yield
    }) : () -> ()
    "tpu.region"() ({
      %run_scoped3A_109 = tpu.sem_alloc : memref<!tpu.dma_semaphore, #tpu.memory_space<semaphore_mem>>
      %dma_start3A_110 = arith.constant 0 : i32
      %dma_start3A_111 = arith.constant 0 : i32
      %dma_start3A_112 = tpu.memref_slice %arg4[%add3A, %dma_start3A_110, %dma_start3A_111] : memref<32x125x80xi32, #tpu.memory_space<hbm>> -> memref<1x125x80xi32, #tpu.memory_space<hbm>>
      %dma_start3A_113 = tpu.memref_squeeze %dma_start3A_112 : memref<1x125x80xi32, #tpu.memory_space<hbm>> -> memref<125x80xi32, #tpu.memory_space<hbm>>
      %dma_start3A_114 = arith.constant 0 : i32
      %dma_start3A_115 = arith.constant 0 : i32
      %dma_start3A_116 = tpu.memref_slice %arg4[%add3A, %dma_start3A_114, %dma_start3A_115] : memref<32x125x80xi32, #tpu.memory_space<hbm>> -> memref<1x125x80xi32, #tpu.memory_space<hbm>>
      %dma_start3A_117 = tpu.memref_squeeze %dma_start3A_116 : memref<1x125x80xi32, #tpu.memory_space<hbm>> -> memref<125x80xi32, #tpu.memory_space<hbm>>
      tpu.enqueue_dma source(%dma_start3A_117 : memref<125x80xi32, #tpu.memory_space<hbm>>) target(%arg9 : memref<125x80xi32, #tpu.memory_space<vmem>>) target_semaphore(%run_scoped3A_109 : memref<!tpu.dma_semaphore, #tpu.memory_space<semaphore_mem>>)
      %dma_wait3A_118 = arith.constant 0 : i32
      %dma_wait3A_119 = arith.constant 0 : i32
      %dma_wait3A_120 = tpu.memref_slice %arg4[%add3A, %dma_wait3A_118, %dma_wait3A_119] : memref<32x125x80xi32, #tpu.memory_space<hbm>> -> memref<1x125x80xi32, #tpu.memory_space<hbm>>
      %dma_wait3A_121 = tpu.memref_squeeze %dma_wait3A_120 : memref<1x125x80xi32, #tpu.memory_space<hbm>> -> memref<125x80xi32, #tpu.memory_space<hbm>>
      %dma_wait3A_122 = arith.constant 0 : i32
      %dma_wait3A_123 = arith.constant 0 : i32
      %dma_wait3A_124 = tpu.memref_slice %arg4[%add3A, %dma_wait3A_122, %dma_wait3A_123] : memref<32x125x80xi32, #tpu.memory_space<hbm>> -> memref<1x125x80xi32, #tpu.memory_space<hbm>>
      %dma_wait3A_125 = tpu.memref_squeeze %dma_wait3A_124 : memref<1x125x80xi32, #tpu.memory_space<hbm>> -> memref<125x80xi32, #tpu.memory_space<hbm>>
      tpu.wait_dma2 semaphore(%run_scoped3A_109 : memref<!tpu.dma_semaphore, #tpu.memory_space<semaphore_mem>>) src(%dma_wait3A_125 : memref<125x80xi32, #tpu.memory_space<hbm>>) dst(%arg9 : memref<125x80xi32, #tpu.memory_space<vmem>>)
      tpu.yield
    }) : () -> ()
    "tpu.region"() ({
      %run_scoped3A_109 = tpu.sem_alloc : memref<!tpu.dma_semaphore, #tpu.memory_space<semaphore_mem>>
      %dma_start3A_110 = arith.constant 0 : i32
      %dma_start3A_111 = arith.constant 0 : i32
      %dma_start3A_112 = tpu.memref_slice %arg5[%dma_start3A_110, %dma_start3A_111] : memref<10240x128xf32, #tpu.memory_space<hbm>> -> memref<80x128xf32, #tpu.memory_space<hbm>>
      %dma_start3A_113 = arith.constant 0 : i32
      %dma_start3A_114 = arith.constant 0 : i32
      %dma_start3A_115 = tpu.memref_slice %arg5[%dma_start3A_113, %dma_start3A_114] : memref<10240x128xf32, #tpu.memory_space<hbm>> -> memref<80x128xf32, #tpu.memory_space<hbm>>
      tpu.enqueue_dma source(%dma_start3A_115 : memref<80x128xf32, #tpu.memory_space<hbm>>) target(%arg15 : memref<80x128xf32, #tpu.memory_space<vmem>>) target_semaphore(%run_scoped3A_109 : memref<!tpu.dma_semaphore, #tpu.memory_space<semaphore_mem>>)
      %dma_wait3A_116 = arith.constant 0 : i32
      %dma_wait3A_117 = arith.constant 0 : i32
      %dma_wait3A_118 = tpu.memref_slice %arg5[%dma_wait3A_116, %dma_wait3A_117] : memref<10240x128xf32, #tpu.memory_space<hbm>> -> memref<80x128xf32, #tpu.memory_space<hbm>>
      %dma_wait3A_119 = arith.constant 0 : i32
      %dma_wait3A_120 = arith.constant 0 : i32
      %dma_wait3A_121 = tpu.memref_slice %arg5[%dma_wait3A_119, %dma_wait3A_120] : memref<10240x128xf32, #tpu.memory_space<hbm>> -> memref<80x128xf32, #tpu.memory_space<hbm>>
      tpu.wait_dma2 semaphore(%run_scoped3A_109 : memref<!tpu.dma_semaphore, #tpu.memory_space<semaphore_mem>>) src(%dma_wait3A_121 : memref<80x128xf32, #tpu.memory_space<hbm>>) dst(%arg15 : memref<80x128xf32, #tpu.memory_space<vmem>>)
      tpu.yield
    }) : () -> ()
    %run_scoped3A = arith.constant 0 : i32
    "tpu.region"() ({
      %run_scoped3A_109 = tpu.sem_alloc : memref<!tpu.dma_semaphore, #tpu.memory_space<semaphore_mem>>
      %dma_start3A_110 = arith.constant 0 : i32
      %dma_start3A_111 = tpu.memref_slice %arg6[%run_scoped3A, %dma_start3A_110] : memref<1x80xi32, #tpu.memory_space<hbm>> -> memref<1x80xi32, #tpu.memory_space<hbm>>
      %dma_start3A_112 = tpu.memref_squeeze %dma_start3A_111 : memref<1x80xi32, #tpu.memory_space<hbm>> -> memref<80xi32, #tpu.memory_space<hbm>>
      %dma_start3A_113 = arith.constant 0 : i32
      %dma_start3A_114 = tpu.memref_slice %arg6[%run_scoped3A, %dma_start3A_113] : memref<1x80xi32, #tpu.memory_space<hbm>> -> memref<1x80xi32, #tpu.memory_space<hbm>>
      %dma_start3A_115 = tpu.memref_squeeze %dma_start3A_114 : memref<1x80xi32, #tpu.memory_space<hbm>> -> memref<80xi32, #tpu.memory_space<hbm>>
      tpu.enqueue_dma source(%dma_start3A_115 : memref<80xi32, #tpu.memory_space<hbm>>) target(%arg16 : memref<80xi32, #tpu.memory_space<vmem>>) target_semaphore(%run_scoped3A_109 : memref<!tpu.dma_semaphore, #tpu.memory_space<semaphore_mem>>)
      %dma_wait3A_116 = arith.constant 0 : i32
      %dma_wait3A_117 = tpu.memref_slice %arg6[%run_scoped3A, %dma_wait3A_116] : memref<1x80xi32, #tpu.memory_space<hbm>> -> memref<1x80xi32, #tpu.memory_space<hbm>>
      %dma_wait3A_118 = tpu.memref_squeeze %dma_wait3A_117 : memref<1x80xi32, #tpu.memory_space<hbm>> -> memref<80xi32, #tpu.memory_space<hbm>>
      %dma_wait3A_119 = arith.constant 0 : i32
      %dma_wait3A_120 = tpu.memref_slice %arg6[%run_scoped3A, %dma_wait3A_119] : memref<1x80xi32, #tpu.memory_space<hbm>> -> memref<1x80xi32, #tpu.memory_space<hbm>>
      %dma_wait3A_121 = tpu.memref_squeeze %dma_wait3A_120 : memref<1x80xi32, #tpu.memory_space<hbm>> -> memref<80xi32, #tpu.memory_space<hbm>>
      tpu.wait_dma2 semaphore(%run_scoped3A_109 : memref<!tpu.dma_semaphore, #tpu.memory_space<semaphore_mem>>) src(%dma_wait3A_121 : memref<80xi32, #tpu.memory_space<hbm>>) dst(%arg16 : memref<80xi32, #tpu.memory_space<vmem>>)
      tpu.yield
    }) : () -> ()
    %eq3A = arith.constant 0 : i32
    %eq3A_3 = arith.cmpi eq, %arg1, %eq3A : i32
    %convert_element_type3A = arith.extui %eq3A_3 : i1 to i32
    %cond3A = arith.constant 0 : i32
    %cond3A_4 = arith.cmpi ne, %convert_element_type3A, %cond3A : i32
    scf.if %cond3A_4 {
      "tpu.region"() ({
        %run_scoped3A_109 = tpu.sem_alloc : memref<!tpu.dma_semaphore, #tpu.memory_space<semaphore_mem>>
        %dma_start3A_110 = arith.constant 0 : i32
        %dma_start3A_111 = arith.constant 0 : i32
        %dma_start3A_112 = tpu.memref_slice %arg5[%dma_start3A_110, %dma_start3A_111] : memref<10240x128xf32, #tpu.memory_space<hbm>> -> memref<80x128xf32, #tpu.memory_space<hbm>>
        tpu.enqueue_dma source(%dma_start3A_112 : memref<80x128xf32, #tpu.memory_space<hbm>>) target(%arg17 : memref<80x128xf32, #tpu.memory_space<vmem_shared>>) target_semaphore(%run_scoped3A_109 : memref<!tpu.dma_semaphore, #tpu.memory_space<semaphore_mem>>)
        %dma_wait3A_113 = arith.constant 0 : i32
        %dma_wait3A_114 = arith.constant 0 : i32
        %dma_wait3A_115 = tpu.memref_slice %arg5[%dma_wait3A_113, %dma_wait3A_114] : memref<10240x128xf32, #tpu.memory_space<hbm>> -> memref<80x128xf32, #tpu.memory_space<hbm>>
        tpu.wait_dma2 semaphore(%run_scoped3A_109 : memref<!tpu.dma_semaphore, #tpu.memory_space<semaphore_mem>>) src(%dma_wait3A_115 : memref<80x128xf32, #tpu.memory_space<hbm>>) dst(%arg17 : memref<80x128xf32, #tpu.memory_space<vmem_shared>>)
        tpu.yield
      }) : () -> ()
    } else {
    }
    %barrier3A = arith.constant 0 : index
    tpu.barrier barrier_id(%barrier3A)
    %broadcast_in_dim3A = arith.constant 1.000000e+00 : f32
    %broadcast_in_dim3A_5 = vector.broadcast %broadcast_in_dim3A : f32 to vector<16xf32>
    %dma_start3A = arith.constant 0 : i32
    %dma_start3A_6 = arith.constant 0 : i32
    %dma_start3A_7 = arith.constant 0 : i32
    %dma_start3A_8 = tpu.memref_slice %arg3[%add3A, %dma_start3A, %dma_start3A_6, %dma_start3A_7] : memref<32x125x1x80xi32, #tpu.memory_space<hbm>> -> memref<1x1x1x80xi32, #tpu.memory_space<hbm>>
    %dma_start3A_9 = tpu.memref_squeeze %dma_start3A_8 : memref<1x1x1x80xi32, #tpu.memory_space<hbm>> -> memref<1x80xi32, #tpu.memory_space<hbm>>
    %dma_start3A_10 = arith.constant 0 : i32
    %dma_start3A_11 = arith.constant 0 : i32
    %dma_start3A_12 = tpu.memref_slice %arg3[%add3A, %dma_start3A, %dma_start3A_10, %dma_start3A_11] : memref<32x125x1x80xi32, #tpu.memory_space<hbm>> -> memref<1x1x1x80xi32, #tpu.memory_space<hbm>>
    %dma_start3A_13 = tpu.memref_squeeze %dma_start3A_12 : memref<1x1x1x80xi32, #tpu.memory_space<hbm>> -> memref<1x80xi32, #tpu.memory_space<hbm>>
    tpu.enqueue_dma source(%dma_start3A_13 : memref<1x80xi32, #tpu.memory_space<hbm>>) target(%arg10 : memref<1x80xi32, #tpu.memory_space<vmem>>) target_semaphore(%arg18 : memref<!tpu.dma_semaphore, #tpu.memory_space<semaphore_mem>>)
    %dma_start3A_14 = arith.constant 1 : i32
    %dma_start3A_15 = arith.constant 0 : i32
    %dma_start3A_16 = arith.constant 0 : i32
    %dma_start3A_17 = tpu.memref_slice %arg3[%add3A, %dma_start3A_14, %dma_start3A_15, %dma_start3A_16] : memref<32x125x1x80xi32, #tpu.memory_space<hbm>> -> memref<1x1x1x80xi32, #tpu.memory_space<hbm>>
    %dma_start3A_18 = tpu.memref_squeeze %dma_start3A_17 : memref<1x1x1x80xi32, #tpu.memory_space<hbm>> -> memref<1x80xi32, #tpu.memory_space<hbm>>
    %dma_start3A_19 = arith.constant 0 : i32
    %dma_start3A_20 = arith.constant 0 : i32
    %dma_start3A_21 = tpu.memref_slice %arg3[%add3A, %dma_start3A_14, %dma_start3A_19, %dma_start3A_20] : memref<32x125x1x80xi32, #tpu.memory_space<hbm>> -> memref<1x1x1x80xi32, #tpu.memory_space<hbm>>
    %dma_start3A_22 = tpu.memref_squeeze %dma_start3A_21 : memref<1x1x1x80xi32, #tpu.memory_space<hbm>> -> memref<1x80xi32, #tpu.memory_space<hbm>>
    tpu.enqueue_dma source(%dma_start3A_22 : memref<1x80xi32, #tpu.memory_space<hbm>>) target(%arg11 : memref<1x80xi32, #tpu.memory_space<vmem>>) target_semaphore(%arg19 : memref<!tpu.dma_semaphore, #tpu.memory_space<semaphore_mem>>)
    %dma_wait3A = arith.constant 0 : i32
    %dma_wait3A_23 = arith.constant 0 : i32
    %dma_wait3A_24 = arith.constant 0 : i32
    %dma_wait3A_25 = tpu.memref_slice %arg3[%add3A, %dma_wait3A, %dma_wait3A_23, %dma_wait3A_24] : memref<32x125x1x80xi32, #tpu.memory_space<hbm>> -> memref<1x1x1x80xi32, #tpu.memory_space<hbm>>
    %dma_wait3A_26 = tpu.memref_squeeze %dma_wait3A_25 : memref<1x1x1x80xi32, #tpu.memory_space<hbm>> -> memref<1x80xi32, #tpu.memory_space<hbm>>
    %dma_wait3A_27 = arith.constant 0 : i32
    %dma_wait3A_28 = arith.constant 0 : i32
    %dma_wait3A_29 = tpu.memref_slice %arg3[%add3A, %dma_wait3A, %dma_wait3A_27, %dma_wait3A_28] : memref<32x125x1x80xi32, #tpu.memory_space<hbm>> -> memref<1x1x1x80xi32, #tpu.memory_space<hbm>>
    %dma_wait3A_30 = tpu.memref_squeeze %dma_wait3A_29 : memref<1x1x1x80xi32, #tpu.memory_space<hbm>> -> memref<1x80xi32, #tpu.memory_space<hbm>>
    tpu.wait_dma2 semaphore(%arg18 : memref<!tpu.dma_semaphore, #tpu.memory_space<semaphore_mem>>) src(%dma_wait3A_30 : memref<1x80xi32, #tpu.memory_space<hbm>>) dst(%arg10 : memref<1x80xi32, #tpu.memory_space<vmem>>)
    %dma_start3A_31 = arith.constant 0 : i32
    %dma_start3A_32 = arith.constant 0 : i32
    %dma_start3A_33 = tpu.memref_slice %arg10[%dma_start3A_31, %dma_start3A_32] : memref<1x80xi32, #tpu.memory_space<vmem>> -> memref<1x80xi32, #tpu.memory_space<vmem>>
    %dma_start3A_34 = tpu.memref_squeeze %dma_start3A_33 : memref<1x80xi32, #tpu.memory_space<vmem>> -> memref<80xi32, #tpu.memory_space<vmem>>
    %dma_start3A_35 = arith.constant 0 : i32
    %dma_start3A_36 = arith.constant 0 : i32
    %dma_start3A_37 = tpu.memref_slice %arg2[%dma_start3A_35, %dma_start3A_36] : memref<10000x128xf32, #tpu.memory_space<hbm>> -> memref<10000x128xf32, #tpu.memory_space<hbm>>
    tpu.enqueue_indirect_dma source(%dma_start3A_37 : memref<10000x128xf32, #tpu.memory_space<hbm>>) target(%arg12 : memref<80x128xf32, #tpu.memory_space<vmem>>) offsets(%dma_start3A_34 : memref<80xi32, #tpu.memory_space<vmem>>) semaphore(%arg20 : memref<!tpu.dma_semaphore, #tpu.memory_space<semaphore_mem>>)
    %scan3A = arith.constant 0 : i32
    %scan3A_38 = arith.constant 62 : i32
    %scan3A_39 = arith.addi %scan3A, %scan3A_38 : i32
    %scan3A_40 = arith.constant 1 : i32
    scf.for %scan3A_109 = %scan3A to %scan3A_39 step %scan3A_40  : i32 {
      %mul3A_110 = arith.constant 2 : i32
      %mul3A_111 = arith.muli %scan3A_109, %mul3A_110 : i32
      %add3A_112 = arith.constant 0 : i32
      %add3A_113 = arith.addi %add3A_112, %mul3A_111 : i32
      %add3A_114 = arith.constant 0 : i32
      %add3A_115 = arith.addi %add3A_113, %add3A_114 : i32
      %dma_wait3A_116 = arith.constant 0 : i32
      %dma_wait3A_117 = arith.constant 0 : i32
      %dma_wait3A_118 = tpu.memref_slice %arg10[%dma_wait3A_116, %dma_wait3A_117] : memref<1x80xi32, #tpu.memory_space<vmem>> -> memref<1x80xi32, #tpu.memory_space<vmem>>
      %dma_wait3A_119 = tpu.memref_squeeze %dma_wait3A_118 : memref<1x80xi32, #tpu.memory_space<vmem>> -> memref<80xi32, #tpu.memory_space<vmem>>
      %dma_wait3A_120 = arith.constant 0 : i32
      %dma_wait3A_121 = arith.constant 0 : i32
      %dma_wait3A_122 = tpu.memref_slice %arg2[%dma_wait3A_120, %dma_wait3A_121] : memref<10000x128xf32, #tpu.memory_space<hbm>> -> memref<10000x128xf32, #tpu.memory_space<hbm>>
      tpu.wait_indirect_dma semaphore(%arg20 : memref<!tpu.dma_semaphore, #tpu.memory_space<semaphore_mem>>) src(%dma_wait3A_122 : memref<10000x128xf32, #tpu.memory_space<hbm>>) dst(%arg12 : memref<80x128xf32, #tpu.memory_space<vmem>>)
      %dma_start3A_123 = arith.constant 0 : i32
      %dma_start3A_124 = tpu.memref_slice %arg9[%add3A_115, %dma_start3A_123] : memref<125x80xi32, #tpu.memory_space<vmem>> -> memref<1x80xi32, #tpu.memory_space<vmem>>
      %dma_start3A_125 = tpu.memref_squeeze %dma_start3A_124 : memref<1x80xi32, #tpu.memory_space<vmem>> -> memref<80xi32, #tpu.memory_space<vmem>>
      %dma_start3A_126 = arith.constant 0 : i32
      %dma_start3A_127 = arith.constant 0 : i32
      %dma_start3A_128 = tpu.memref_slice %arg14[%dma_start3A_126, %dma_start3A_127] : memref<10240x128xf32, #tpu.memory_space<vmem_shared>> -> memref<10240x128xf32, #tpu.memory_space<vmem_shared>>
      tpu.enqueue_indirect_dma source(%arg12 : memref<80x128xf32, #tpu.memory_space<vmem>>) target(%dma_start3A_128 : memref<10240x128xf32, #tpu.memory_space<vmem_shared>>) offsets(%dma_start3A_125 : memref<80xi32, #tpu.memory_space<vmem>>) semaphore(%arg22 : memref<!tpu.dma_semaphore, #tpu.memory_space<semaphore_mem>>) {add = true}
      %add3A_129 = arith.constant 2 : i32
      %add3A_130 = arith.addi %add3A_115, %add3A_129 : i32
      %lt3A_131 = arith.constant 125 : i32
      %lt3A_132 = arith.cmpi slt, %add3A_130, %lt3A_131 : i32
      %convert_element_type3A_133 = arith.extui %lt3A_132 : i1 to i32
      %cond3A_134 = arith.constant 0 : i32
      %cond3A_135 = arith.cmpi ne, %convert_element_type3A_133, %cond3A_134 : i32
      scf.if %cond3A_135 {
        %add3A_182 = arith.constant 2 : i32
        %add3A_183 = arith.addi %add3A_115, %add3A_182 : i32
        %dma_start3A_184 = arith.constant 0 : i32
        %dma_start3A_185 = arith.constant 0 : i32
        %dma_start3A_186 = tpu.memref_slice %arg3[%add3A, %add3A_183, %dma_start3A_184, %dma_start3A_185] : memref<32x125x1x80xi32, #tpu.memory_space<hbm>> -> memref<1x1x1x80xi32, #tpu.memory_space<hbm>>
        %dma_start3A_187 = tpu.memref_squeeze %dma_start3A_186 : memref<1x1x1x80xi32, #tpu.memory_space<hbm>> -> memref<1x80xi32, #tpu.memory_space<hbm>>
        %dma_start3A_188 = arith.constant 0 : i32
        %dma_start3A_189 = arith.constant 0 : i32
        %dma_start3A_190 = tpu.memref_slice %arg3[%add3A, %add3A_183, %dma_start3A_188, %dma_start3A_189] : memref<32x125x1x80xi32, #tpu.memory_space<hbm>> -> memref<1x1x1x80xi32, #tpu.memory_space<hbm>>
        %dma_start3A_191 = tpu.memref_squeeze %dma_start3A_190 : memref<1x1x1x80xi32, #tpu.memory_space<hbm>> -> memref<1x80xi32, #tpu.memory_space<hbm>>
        tpu.enqueue_dma source(%dma_start3A_191 : memref<1x80xi32, #tpu.memory_space<hbm>>) target(%arg10 : memref<1x80xi32, #tpu.memory_space<vmem>>) target_semaphore(%arg18 : memref<!tpu.dma_semaphore, #tpu.memory_space<semaphore_mem>>)
      } else {
      }
      %scan3A_136 = arith.constant 0 : i32
      %scan3A_137 = arith.constant 5 : i32
      %scan3A_138 = arith.addi %scan3A_136, %scan3A_137 : i32
      %scan3A_139 = arith.constant 1 : i32
      scf.for %scan3A_182 = %scan3A_136 to %scan3A_138 step %scan3A_139  : i32 {
        %mul3A_183 = arith.constant 16 : i32
        %mul3A_184 = arith.muli %scan3A_182, %mul3A_183 : i32
        %add3A_185 = arith.constant 0 : i32
        %add3A_186 = arith.addi %add3A_185, %mul3A_184 : i32
        %get3A = arith.index_cast %add3A_115 : i32 to index
        %get3A_187 = arith.index_cast %add3A_186 : i32 to index
        %get3A_188 = tpu.vector_load %arg9[%get3A, %get3A_187] {strides = array<i32>} : memref<125x80xi32, #tpu.memory_space<vmem>>, vector<16xi32>,
        %shift_right_logical3A = arith.constant 7 : i32
        %shift_right_logical3A_189 = vector.broadcast %shift_right_logical3A : i32 to vector<16xi32>
        %shift_right_logical3A_190 = arith.shrui %get3A_188, %shift_right_logical3A_189 : vector<16xi32>
        %and3A = arith.constant 127 : i32
        %and3A_191 = vector.broadcast %and3A : i32 to vector<16xi32>
        %and3A_192 = arith.andi %get3A_188, %and3A_191 : vector<16xi32>
        tpu.vector_store_idx %arg15[%shift_right_logical3A_190, %and3A_192], %broadcast_in_dim3A_5 {add = true} : memref<80x128xf32, #tpu.memory_space<vmem>>[vector<16xi32>, vector<16xi32>], vector<16xf32>,
      }
      %scan3A_140 = arith.constant 5 : i32
      %add3A_141 = arith.constant 1 : i32
      %add3A_142 = arith.addi %add3A_115, %add3A_141 : i32
      %lt3A_143 = arith.constant 125 : i32
      %lt3A_144 = arith.cmpi slt, %add3A_142, %lt3A_143 : i32
      %convert_element_type3A_145 = arith.extui %lt3A_144 : i1 to i32
      %cond3A_146 = arith.constant 0 : i32
      %cond3A_147 = arith.cmpi ne, %convert_element_type3A_145, %cond3A_146 : i32
      scf.if %cond3A_147 {
        %add3A_182 = arith.constant 1 : i32
        %add3A_183 = arith.addi %add3A_115, %add3A_182 : i32
        %ge3A = arith.constant 2 : i32
        %ge3A_184 = arith.cmpi sge, %add3A_183, %ge3A : i32
        %convert_element_type3A_185 = arith.extui %ge3A_184 : i1 to i32
        %cond3A_186 = arith.constant 0 : i32
        %cond3A_187 = arith.cmpi ne, %convert_element_type3A_185, %cond3A_186 : i32
        scf.if %cond3A_187 {
          %add3A_205 = arith.constant 1 : i32
          %add3A_206 = arith.addi %add3A_115, %add3A_205 : i32
          %sub3A = arith.constant 2 : i32
          %sub3A_207 = arith.subi %add3A_206, %sub3A : i32
          %dma_wait3A_208 = arith.constant 0 : i32
          %dma_wait3A_209 = tpu.memref_slice %arg9[%sub3A_207, %dma_wait3A_208] : memref<125x80xi32, #tpu.memory_space<vmem>> -> memref<1x80xi32, #tpu.memory_space<vmem>>
          %dma_wait3A_210 = tpu.memref_squeeze %dma_wait3A_209 : memref<1x80xi32, #tpu.memory_space<vmem>> -> memref<80xi32, #tpu.memory_space<vmem>>
          %dma_wait3A_211 = arith.constant 0 : i32
          %dma_wait3A_212 = arith.constant 0 : i32
          %dma_wait3A_213 = tpu.memref_slice %arg14[%dma_wait3A_211, %dma_wait3A_212] : memref<10240x128xf32, #tpu.memory_space<vmem_shared>> -> memref<10240x128xf32, #tpu.memory_space<vmem_shared>>
          tpu.wait_indirect_dma semaphore(%arg23 : memref<!tpu.dma_semaphore, #tpu.memory_space<semaphore_mem>>) src(%arg13 : memref<80x128xf32, #tpu.memory_space<vmem>>) dst(%dma_wait3A_213 : memref<10240x128xf32, #tpu.memory_space<vmem_shared>>)
        } else {
        }
        %add3A_188 = arith.constant 1 : i32
        %add3A_189 = arith.addi %add3A_115, %add3A_188 : i32
        %dma_wait3A_190 = arith.constant 0 : i32
        %dma_wait3A_191 = arith.constant 0 : i32
        %dma_wait3A_192 = tpu.memref_slice %arg3[%add3A, %add3A_189, %dma_wait3A_190, %dma_wait3A_191] : memref<32x125x1x80xi32, #tpu.memory_space<hbm>> -> memref<1x1x1x80xi32, #tpu.memory_space<hbm>>
        %dma_wait3A_193 = tpu.memref_squeeze %dma_wait3A_192 : memref<1x1x1x80xi32, #tpu.memory_space<hbm>> -> memref<1x80xi32, #tpu.memory_space<hbm>>
        %dma_wait3A_194 = arith.constant 0 : i32
        %dma_wait3A_195 = arith.constant 0 : i32
        %dma_wait3A_196 = tpu.memref_slice %arg3[%add3A, %add3A_189, %dma_wait3A_194, %dma_wait3A_195] : memref<32x125x1x80xi32, #tpu.memory_space<hbm>> -> memref<1x1x1x80xi32, #tpu.memory_space<hbm>>
        %dma_wait3A_197 = tpu.memref_squeeze %dma_wait3A_196 : memref<1x1x1x80xi32, #tpu.memory_space<hbm>> -> memref<1x80xi32, #tpu.memory_space<hbm>>
        tpu.wait_dma2 semaphore(%arg19 : memref<!tpu.dma_semaphore, #tpu.memory_space<semaphore_mem>>) src(%dma_wait3A_197 : memref<1x80xi32, #tpu.memory_space<hbm>>) dst(%arg11 : memref<1x80xi32, #tpu.memory_space<vmem>>)
        %dma_start3A_198 = arith.constant 0 : i32
        %dma_start3A_199 = arith.constant 0 : i32
        %dma_start3A_200 = tpu.memref_slice %arg11[%dma_start3A_198, %dma_start3A_199] : memref<1x80xi32, #tpu.memory_space<vmem>> -> memref<1x80xi32, #tpu.memory_space<vmem>>
        %dma_start3A_201 = tpu.memref_squeeze %dma_start3A_200 : memref<1x80xi32, #tpu.memory_space<vmem>> -> memref<80xi32, #tpu.memory_space<vmem>>
        %dma_start3A_202 = arith.constant 0 : i32
        %dma_start3A_203 = arith.constant 0 : i32
        %dma_start3A_204 = tpu.memref_slice %arg2[%dma_start3A_202, %dma_start3A_203] : memref<10000x128xf32, #tpu.memory_space<hbm>> -> memref<10000x128xf32, #tpu.memory_space<hbm>>
        tpu.enqueue_indirect_dma source(%dma_start3A_204 : memref<10000x128xf32, #tpu.memory_space<hbm>>) target(%arg13 : memref<80x128xf32, #tpu.memory_space<vmem>>) offsets(%dma_start3A_201 : memref<80xi32, #tpu.memory_space<vmem>>) semaphore(%arg21 : memref<!tpu.dma_semaphore, #tpu.memory_space<semaphore_mem>>)
      } else {
      }
      %add3A_148 = arith.constant 1 : i32
      %add3A_149 = arith.addi %add3A_113, %add3A_148 : i32
      %dma_wait3A_150 = arith.constant 0 : i32
      %dma_wait3A_151 = arith.constant 0 : i32
      %dma_wait3A_152 = tpu.memref_slice %arg11[%dma_wait3A_150, %dma_wait3A_151] : memref<1x80xi32, #tpu.memory_space<vmem>> -> memref<1x80xi32, #tpu.memory_space<vmem>>
      %dma_wait3A_153 = tpu.memref_squeeze %dma_wait3A_152 : memref<1x80xi32, #tpu.memory_space<vmem>> -> memref<80xi32, #tpu.memory_space<vmem>>
      %dma_wait3A_154 = arith.constant 0 : i32
      %dma_wait3A_155 = arith.constant 0 : i32
      %dma_wait3A_156 = tpu.memref_slice %arg2[%dma_wait3A_154, %dma_wait3A_155] : memref<10000x128xf32, #tpu.memory_space<hbm>> -> memref<10000x128xf32, #tpu.memory_space<hbm>>
      tpu.wait_indirect_dma semaphore(%arg21 : memref<!tpu.dma_semaphore, #tpu.memory_space<semaphore_mem>>) src(%dma_wait3A_156 : memref<10000x128xf32, #tpu.memory_space<hbm>>) dst(%arg13 : memref<80x128xf32, #tpu.memory_space<vmem>>)
      %dma_start3A_157 = arith.constant 0 : i32
      %dma_start3A_158 = tpu.memref_slice %arg9[%add3A_149, %dma_start3A_157] : memref<125x80xi32, #tpu.memory_space<vmem>> -> memref<1x80xi32, #tpu.memory_space<vmem>>
      %dma_start3A_159 = tpu.memref_squeeze %dma_start3A_158 : memref<1x80xi32, #tpu.memory_space<vmem>> -> memref<80xi32, #tpu.memory_space<vmem>>
      %dma_start3A_160 = arith.constant 0 : i32
      %dma_start3A_161 = arith.constant 0 : i32
      %dma_start3A_162 = tpu.memref_slice %arg14[%dma_start3A_160, %dma_start3A_161] : memref<10240x128xf32, #tpu.memory_space<vmem_shared>> -> memref<10240x128xf32, #tpu.memory_space<vmem_shared>>
      tpu.enqueue_indirect_dma source(%arg13 : memref<80x128xf32, #tpu.memory_space<vmem>>) target(%dma_start3A_162 : memref<10240x128xf32, #tpu.memory_space<vmem_shared>>) offsets(%dma_start3A_159 : memref<80xi32, #tpu.memory_space<vmem>>) semaphore(%arg23 : memref<!tpu.dma_semaphore, #tpu.memory_space<semaphore_mem>>) {add = true}
      %add3A_163 = arith.constant 2 : i32
      %add3A_164 = arith.addi %add3A_149, %add3A_163 : i32
      %lt3A_165 = arith.constant 125 : i32
      %lt3A_166 = arith.cmpi slt, %add3A_164, %lt3A_165 : i32
      %convert_element_type3A_167 = arith.extui %lt3A_166 : i1 to i32
      %cond3A_168 = arith.constant 0 : i32
      %cond3A_169 = arith.cmpi ne, %convert_element_type3A_167, %cond3A_168 : i32
      scf.if %cond3A_169 {
        %add3A_182 = arith.constant 2 : i32
        %add3A_183 = arith.addi %add3A_149, %add3A_182 : i32
        %dma_start3A_184 = arith.constant 0 : i32
        %dma_start3A_185 = arith.constant 0 : i32
        %dma_start3A_186 = tpu.memref_slice %arg3[%add3A, %add3A_183, %dma_start3A_184, %dma_start3A_185] : memref<32x125x1x80xi32, #tpu.memory_space<hbm>> -> memref<1x1x1x80xi32, #tpu.memory_space<hbm>>
        %dma_start3A_187 = tpu.memref_squeeze %dma_start3A_186 : memref<1x1x1x80xi32, #tpu.memory_space<hbm>> -> memref<1x80xi32, #tpu.memory_space<hbm>>
        %dma_start3A_188 = arith.constant 0 : i32
        %dma_start3A_189 = arith.constant 0 : i32
        %dma_start3A_190 = tpu.memref_slice %arg3[%add3A, %add3A_183, %dma_start3A_188, %dma_start3A_189] : memref<32x125x1x80xi32, #tpu.memory_space<hbm>> -> memref<1x1x1x80xi32, #tpu.memory_space<hbm>>
        %dma_start3A_191 = tpu.memref_squeeze %dma_start3A_190 : memref<1x1x1x80xi32, #tpu.memory_space<hbm>> -> memref<1x80xi32, #tpu.memory_space<hbm>>
        tpu.enqueue_dma source(%dma_start3A_191 : memref<1x80xi32, #tpu.memory_space<hbm>>) target(%arg11 : memref<1x80xi32, #tpu.memory_space<vmem>>) target_semaphore(%arg19 : memref<!tpu.dma_semaphore, #tpu.memory_space<semaphore_mem>>)
      } else {
      }
      %scan3A_170 = arith.constant 0 : i32
      %scan3A_171 = arith.constant 5 : i32
      %scan3A_172 = arith.addi %scan3A_170, %scan3A_171 : i32
      %scan3A_173 = arith.constant 1 : i32
      scf.for %scan3A_182 = %scan3A_170 to %scan3A_172 step %scan3A_173  : i32 {
        %mul3A_183 = arith.constant 16 : i32
        %mul3A_184 = arith.muli %scan3A_182, %mul3A_183 : i32
        %add3A_185 = arith.constant 0 : i32
        %add3A_186 = arith.addi %add3A_185, %mul3A_184 : i32
        %get3A = arith.index_cast %add3A_149 : i32 to index
        %get3A_187 = arith.index_cast %add3A_186 : i32 to index
        %get3A_188 = tpu.vector_load %arg9[%get3A, %get3A_187] {strides = array<i32>} : memref<125x80xi32, #tpu.memory_space<vmem>>, vector<16xi32>,
        %shift_right_logical3A = arith.constant 7 : i32
        %shift_right_logical3A_189 = vector.broadcast %shift_right_logical3A : i32 to vector<16xi32>
        %shift_right_logical3A_190 = arith.shrui %get3A_188, %shift_right_logical3A_189 : vector<16xi32>
        %and3A = arith.constant 127 : i32
        %and3A_191 = vector.broadcast %and3A : i32 to vector<16xi32>
        %and3A_192 = arith.andi %get3A_188, %and3A_191 : vector<16xi32>
        tpu.vector_store_idx %arg15[%shift_right_logical3A_190, %and3A_192], %broadcast_in_dim3A_5 {add = true} : memref<80x128xf32, #tpu.memory_space<vmem>>[vector<16xi32>, vector<16xi32>], vector<16xf32>,
      }
      %scan3A_174 = arith.constant 5 : i32
      %add3A_175 = arith.constant 1 : i32
      %add3A_176 = arith.addi %add3A_149, %add3A_175 : i32
      %lt3A_177 = arith.constant 125 : i32
      %lt3A_178 = arith.cmpi slt, %add3A_176, %lt3A_177 : i32
      %convert_element_type3A_179 = arith.extui %lt3A_178 : i1 to i32
      %cond3A_180 = arith.constant 0 : i32
      %cond3A_181 = arith.cmpi ne, %convert_element_type3A_179, %cond3A_180 : i32
      scf.if %cond3A_181 {
        %add3A_182 = arith.constant 1 : i32
        %add3A_183 = arith.addi %add3A_149, %add3A_182 : i32
        %ge3A = arith.constant 2 : i32
        %ge3A_184 = arith.cmpi sge, %add3A_183, %ge3A : i32
        %convert_element_type3A_185 = arith.extui %ge3A_184 : i1 to i32
        %cond3A_186 = arith.constant 0 : i32
        %cond3A_187 = arith.cmpi ne, %convert_element_type3A_185, %cond3A_186 : i32
        scf.if %cond3A_187 {
          %add3A_205 = arith.constant 1 : i32
          %add3A_206 = arith.addi %add3A_149, %add3A_205 : i32
          %sub3A = arith.constant 2 : i32
          %sub3A_207 = arith.subi %add3A_206, %sub3A : i32
          %dma_wait3A_208 = arith.constant 0 : i32
          %dma_wait3A_209 = tpu.memref_slice %arg9[%sub3A_207, %dma_wait3A_208] : memref<125x80xi32, #tpu.memory_space<vmem>> -> memref<1x80xi32, #tpu.memory_space<vmem>>
          %dma_wait3A_210 = tpu.memref_squeeze %dma_wait3A_209 : memref<1x80xi32, #tpu.memory_space<vmem>> -> memref<80xi32, #tpu.memory_space<vmem>>
          %dma_wait3A_211 = arith.constant 0 : i32
          %dma_wait3A_212 = arith.constant 0 : i32
          %dma_wait3A_213 = tpu.memref_slice %arg14[%dma_wait3A_211, %dma_wait3A_212] : memref<10240x128xf32, #tpu.memory_space<vmem_shared>> -> memref<10240x128xf32, #tpu.memory_space<vmem_shared>>
          tpu.wait_indirect_dma semaphore(%arg22 : memref<!tpu.dma_semaphore, #tpu.memory_space<semaphore_mem>>) src(%arg12 : memref<80x128xf32, #tpu.memory_space<vmem>>) dst(%dma_wait3A_213 : memref<10240x128xf32, #tpu.memory_space<vmem_shared>>)
        } else {
        }
        %add3A_188 = arith.constant 1 : i32
        %add3A_189 = arith.addi %add3A_149, %add3A_188 : i32
        %dma_wait3A_190 = arith.constant 0 : i32
        %dma_wait3A_191 = arith.constant 0 : i32
        %dma_wait3A_192 = tpu.memref_slice %arg3[%add3A, %add3A_189, %dma_wait3A_190, %dma_wait3A_191] : memref<32x125x1x80xi32, #tpu.memory_space<hbm>> -> memref<1x1x1x80xi32, #tpu.memory_space<hbm>>
        %dma_wait3A_193 = tpu.memref_squeeze %dma_wait3A_192 : memref<1x1x1x80xi32, #tpu.memory_space<hbm>> -> memref<1x80xi32, #tpu.memory_space<hbm>>
        %dma_wait3A_194 = arith.constant 0 : i32
        %dma_wait3A_195 = arith.constant 0 : i32
        %dma_wait3A_196 = tpu.memref_slice %arg3[%add3A, %add3A_189, %dma_wait3A_194, %dma_wait3A_195] : memref<32x125x1x80xi32, #tpu.memory_space<hbm>> -> memref<1x1x1x80xi32, #tpu.memory_space<hbm>>
        %dma_wait3A_197 = tpu.memref_squeeze %dma_wait3A_196 : memref<1x1x1x80xi32, #tpu.memory_space<hbm>> -> memref<1x80xi32, #tpu.memory_space<hbm>>
        tpu.wait_dma2 semaphore(%arg18 : memref<!tpu.dma_semaphore, #tpu.memory_space<semaphore_mem>>) src(%dma_wait3A_197 : memref<1x80xi32, #tpu.memory_space<hbm>>) dst(%arg10 : memref<1x80xi32, #tpu.memory_space<vmem>>)
        %dma_start3A_198 = arith.constant 0 : i32
        %dma_start3A_199 = arith.constant 0 : i32
        %dma_start3A_200 = tpu.memref_slice %arg10[%dma_start3A_198, %dma_start3A_199] : memref<1x80xi32, #tpu.memory_space<vmem>> -> memref<1x80xi32, #tpu.memory_space<vmem>>
        %dma_start3A_201 = tpu.memref_squeeze %dma_start3A_200 : memref<1x80xi32, #tpu.memory_space<vmem>> -> memref<80xi32, #tpu.memory_space<vmem>>
        %dma_start3A_202 = arith.constant 0 : i32
        %dma_start3A_203 = arith.constant 0 : i32
        %dma_start3A_204 = tpu.memref_slice %arg2[%dma_start3A_202, %dma_start3A_203] : memref<10000x128xf32, #tpu.memory_space<hbm>> -> memref<10000x128xf32, #tpu.memory_space<hbm>>
        tpu.enqueue_indirect_dma source(%dma_start3A_204 : memref<10000x128xf32, #tpu.memory_space<hbm>>) target(%arg12 : memref<80x128xf32, #tpu.memory_space<vmem>>) offsets(%dma_start3A_201 : memref<80xi32, #tpu.memory_space<vmem>>) semaphore(%arg20 : memref<!tpu.dma_semaphore, #tpu.memory_space<semaphore_mem>>)
      } else {
      }
    }
    %scan3A_41 = arith.constant 62 : i32
    %scan3A_42 = arith.constant 0 : i32
    %mul3A_43 = arith.constant 1 : i32
    %mul3A_44 = arith.muli %scan3A_42, %mul3A_43 : i32
    %add3A_45 = arith.constant 124 : i32
    %add3A_46 = arith.addi %add3A_45, %mul3A_44 : i32
    %dma_wait3A_47 = arith.constant 0 : i32
    %dma_wait3A_48 = arith.constant 0 : i32
    %dma_wait3A_49 = tpu.memref_slice %arg10[%dma_wait3A_47, %dma_wait3A_48] : memref<1x80xi32, #tpu.memory_space<vmem>> -> memref<1x80xi32, #tpu.memory_space<vmem>>
    %dma_wait3A_50 = tpu.memref_squeeze %dma_wait3A_49 : memref<1x80xi32, #tpu.memory_space<vmem>> -> memref<80xi32, #tpu.memory_space<vmem>>
    %dma_wait3A_51 = arith.constant 0 : i32
    %dma_wait3A_52 = arith.constant 0 : i32
    %dma_wait3A_53 = tpu.memref_slice %arg2[%dma_wait3A_51, %dma_wait3A_52] : memref<10000x128xf32, #tpu.memory_space<hbm>> -> memref<10000x128xf32, #tpu.memory_space<hbm>>
    tpu.wait_indirect_dma semaphore(%arg20 : memref<!tpu.dma_semaphore, #tpu.memory_space<semaphore_mem>>) src(%dma_wait3A_53 : memref<10000x128xf32, #tpu.memory_space<hbm>>) dst(%arg12 : memref<80x128xf32, #tpu.memory_space<vmem>>)
    %dma_start3A_54 = arith.constant 0 : i32
    %dma_start3A_55 = tpu.memref_slice %arg9[%add3A_46, %dma_start3A_54] : memref<125x80xi32, #tpu.memory_space<vmem>> -> memref<1x80xi32, #tpu.memory_space<vmem>>
    %dma_start3A_56 = tpu.memref_squeeze %dma_start3A_55 : memref<1x80xi32, #tpu.memory_space<vmem>> -> memref<80xi32, #tpu.memory_space<vmem>>
    %dma_start3A_57 = arith.constant 0 : i32
    %dma_start3A_58 = arith.constant 0 : i32
    %dma_start3A_59 = tpu.memref_slice %arg14[%dma_start3A_57, %dma_start3A_58] : memref<10240x128xf32, #tpu.memory_space<vmem_shared>> -> memref<10240x128xf32, #tpu.memory_space<vmem_shared>>
    tpu.enqueue_indirect_dma source(%arg12 : memref<80x128xf32, #tpu.memory_space<vmem>>) target(%dma_start3A_59 : memref<10240x128xf32, #tpu.memory_space<vmem_shared>>) offsets(%dma_start3A_56 : memref<80xi32, #tpu.memory_space<vmem>>) semaphore(%arg22 : memref<!tpu.dma_semaphore, #tpu.memory_space<semaphore_mem>>) {add = true}
    %add3A_60 = arith.constant 2 : i32
    %add3A_61 = arith.addi %add3A_46, %add3A_60 : i32
    %lt3A = arith.constant 125 : i32
    %lt3A_62 = arith.cmpi slt, %add3A_61, %lt3A : i32
    %convert_element_type3A_63 = arith.extui %lt3A_62 : i1 to i32
    %cond3A_64 = arith.constant 0 : i32
    %cond3A_65 = arith.cmpi ne, %convert_element_type3A_63, %cond3A_64 : i32
    scf.if %cond3A_65 {
      %add3A_109 = arith.constant 2 : i32
      %add3A_110 = arith.addi %add3A_46, %add3A_109 : i32
      %dma_start3A_111 = arith.constant 0 : i32
      %dma_start3A_112 = arith.constant 0 : i32
      %dma_start3A_113 = tpu.memref_slice %arg3[%add3A, %add3A_110, %dma_start3A_111, %dma_start3A_112] : memref<32x125x1x80xi32, #tpu.memory_space<hbm>> -> memref<1x1x1x80xi32, #tpu.memory_space<hbm>>
      %dma_start3A_114 = tpu.memref_squeeze %dma_start3A_113 : memref<1x1x1x80xi32, #tpu.memory_space<hbm>> -> memref<1x80xi32, #tpu.memory_space<hbm>>
      %dma_start3A_115 = arith.constant 0 : i32
      %dma_start3A_116 = arith.constant 0 : i32
      %dma_start3A_117 = tpu.memref_slice %arg3[%add3A, %add3A_110, %dma_start3A_115, %dma_start3A_116] : memref<32x125x1x80xi32, #tpu.memory_space<hbm>> -> memref<1x1x1x80xi32, #tpu.memory_space<hbm>>
      %dma_start3A_118 = tpu.memref_squeeze %dma_start3A_117 : memref<1x1x1x80xi32, #tpu.memory_space<hbm>> -> memref<1x80xi32, #tpu.memory_space<hbm>>
      tpu.enqueue_dma source(%dma_start3A_118 : memref<1x80xi32, #tpu.memory_space<hbm>>) target(%arg10 : memref<1x80xi32, #tpu.memory_space<vmem>>) target_semaphore(%arg18 : memref<!tpu.dma_semaphore, #tpu.memory_space<semaphore_mem>>)
    } else {
    }
    %scan3A_66 = arith.constant 0 : i32
    %scan3A_67 = arith.constant 5 : i32
    %scan3A_68 = arith.addi %scan3A_66, %scan3A_67 : i32
    %scan3A_69 = arith.constant 1 : i32
    scf.for %scan3A_109 = %scan3A_66 to %scan3A_68 step %scan3A_69  : i32 {
      %mul3A_110 = arith.constant 16 : i32
      %mul3A_111 = arith.muli %scan3A_109, %mul3A_110 : i32
      %add3A_112 = arith.constant 0 : i32
      %add3A_113 = arith.addi %add3A_112, %mul3A_111 : i32
      %get3A = arith.index_cast %add3A_46 : i32 to index
      %get3A_114 = arith.index_cast %add3A_113 : i32 to index
      %get3A_115 = tpu.vector_load %arg9[%get3A, %get3A_114] {strides = array<i32>} : memref<125x80xi32, #tpu.memory_space<vmem>>, vector<16xi32>,
      %shift_right_logical3A = arith.constant 7 : i32
      %shift_right_logical3A_116 = vector.broadcast %shift_right_logical3A : i32 to vector<16xi32>
      %shift_right_logical3A_117 = arith.shrui %get3A_115, %shift_right_logical3A_116 : vector<16xi32>
      %and3A = arith.constant 127 : i32
      %and3A_118 = vector.broadcast %and3A : i32 to vector<16xi32>
      %and3A_119 = arith.andi %get3A_115, %and3A_118 : vector<16xi32>
      tpu.vector_store_idx %arg15[%shift_right_logical3A_117, %and3A_119], %broadcast_in_dim3A_5 {add = true} : memref<80x128xf32, #tpu.memory_space<vmem>>[vector<16xi32>, vector<16xi32>], vector<16xf32>,
    }
    %scan3A_70 = arith.constant 5 : i32
    %add3A_71 = arith.constant 1 : i32
    %add3A_72 = arith.addi %add3A_46, %add3A_71 : i32
    %lt3A_73 = arith.constant 125 : i32
    %lt3A_74 = arith.cmpi slt, %add3A_72, %lt3A_73 : i32
    %convert_element_type3A_75 = arith.extui %lt3A_74 : i1 to i32
    %cond3A_76 = arith.constant 0 : i32
    %cond3A_77 = arith.cmpi ne, %convert_element_type3A_75, %cond3A_76 : i32
    scf.if %cond3A_77 {
      %add3A_109 = arith.constant 1 : i32
      %add3A_110 = arith.addi %add3A_46, %add3A_109 : i32
      %ge3A = arith.constant 2 : i32
      %ge3A_111 = arith.cmpi sge, %add3A_110, %ge3A : i32
      %convert_element_type3A_112 = arith.extui %ge3A_111 : i1 to i32
      %cond3A_113 = arith.constant 0 : i32
      %cond3A_114 = arith.cmpi ne, %convert_element_type3A_112, %cond3A_113 : i32
      scf.if %cond3A_114 {
        %add3A_132 = arith.constant 1 : i32
        %add3A_133 = arith.addi %add3A_46, %add3A_132 : i32
        %sub3A = arith.constant 2 : i32
        %sub3A_134 = arith.subi %add3A_133, %sub3A : i32
        %dma_wait3A_135 = arith.constant 0 : i32
        %dma_wait3A_136 = tpu.memref_slice %arg9[%sub3A_134, %dma_wait3A_135] : memref<125x80xi32, #tpu.memory_space<vmem>> -> memref<1x80xi32, #tpu.memory_space<vmem>>
        %dma_wait3A_137 = tpu.memref_squeeze %dma_wait3A_136 : memref<1x80xi32, #tpu.memory_space<vmem>> -> memref<80xi32, #tpu.memory_space<vmem>>
        %dma_wait3A_138 = arith.constant 0 : i32
        %dma_wait3A_139 = arith.constant 0 : i32
        %dma_wait3A_140 = tpu.memref_slice %arg14[%dma_wait3A_138, %dma_wait3A_139] : memref<10240x128xf32, #tpu.memory_space<vmem_shared>> -> memref<10240x128xf32, #tpu.memory_space<vmem_shared>>
        tpu.wait_indirect_dma semaphore(%arg23 : memref<!tpu.dma_semaphore, #tpu.memory_space<semaphore_mem>>) src(%arg13 : memref<80x128xf32, #tpu.memory_space<vmem>>) dst(%dma_wait3A_140 : memref<10240x128xf32, #tpu.memory_space<vmem_shared>>)
      } else {
      }
      %add3A_115 = arith.constant 1 : i32
      %add3A_116 = arith.addi %add3A_46, %add3A_115 : i32
      %dma_wait3A_117 = arith.constant 0 : i32
      %dma_wait3A_118 = arith.constant 0 : i32
      %dma_wait3A_119 = tpu.memref_slice %arg3[%add3A, %add3A_116, %dma_wait3A_117, %dma_wait3A_118] : memref<32x125x1x80xi32, #tpu.memory_space<hbm>> -> memref<1x1x1x80xi32, #tpu.memory_space<hbm>>
      %dma_wait3A_120 = tpu.memref_squeeze %dma_wait3A_119 : memref<1x1x1x80xi32, #tpu.memory_space<hbm>> -> memref<1x80xi32, #tpu.memory_space<hbm>>
      %dma_wait3A_121 = arith.constant 0 : i32
      %dma_wait3A_122 = arith.constant 0 : i32
      %dma_wait3A_123 = tpu.memref_slice %arg3[%add3A, %add3A_116, %dma_wait3A_121, %dma_wait3A_122] : memref<32x125x1x80xi32, #tpu.memory_space<hbm>> -> memref<1x1x1x80xi32, #tpu.memory_space<hbm>>
      %dma_wait3A_124 = tpu.memref_squeeze %dma_wait3A_123 : memref<1x1x1x80xi32, #tpu.memory_space<hbm>> -> memref<1x80xi32, #tpu.memory_space<hbm>>
      tpu.wait_dma2 semaphore(%arg19 : memref<!tpu.dma_semaphore, #tpu.memory_space<semaphore_mem>>) src(%dma_wait3A_124 : memref<1x80xi32, #tpu.memory_space<hbm>>) dst(%arg11 : memref<1x80xi32, #tpu.memory_space<vmem>>)
      %dma_start3A_125 = arith.constant 0 : i32
      %dma_start3A_126 = arith.constant 0 : i32
      %dma_start3A_127 = tpu.memref_slice %arg11[%dma_start3A_125, %dma_start3A_126] : memref<1x80xi32, #tpu.memory_space<vmem>> -> memref<1x80xi32, #tpu.memory_space<vmem>>
      %dma_start3A_128 = tpu.memref_squeeze %dma_start3A_127 : memref<1x80xi32, #tpu.memory_space<vmem>> -> memref<80xi32, #tpu.memory_space<vmem>>
      %dma_start3A_129 = arith.constant 0 : i32
      %dma_start3A_130 = arith.constant 0 : i32
      %dma_start3A_131 = tpu.memref_slice %arg2[%dma_start3A_129, %dma_start3A_130] : memref<10000x128xf32, #tpu.memory_space<hbm>> -> memref<10000x128xf32, #tpu.memory_space<hbm>>
      tpu.enqueue_indirect_dma source(%dma_start3A_131 : memref<10000x128xf32, #tpu.memory_space<hbm>>) target(%arg13 : memref<80x128xf32, #tpu.memory_space<vmem>>) offsets(%dma_start3A_128 : memref<80xi32, #tpu.memory_space<vmem>>) semaphore(%arg21 : memref<!tpu.dma_semaphore, #tpu.memory_space<semaphore_mem>>)
    } else {
    }
    %scan3A_78 = arith.constant 1 : i32
    %scan3A_79 = arith.constant 0 : i32
    %mul3A_80 = arith.constant 1 : i32
    %mul3A_81 = arith.muli %scan3A_79, %mul3A_80 : i32
    %add3A_82 = arith.constant 123 : i32
    %add3A_83 = arith.addi %add3A_82, %mul3A_81 : i32
    %dma_wait3A_84 = arith.constant 0 : i32
    %dma_wait3A_85 = tpu.memref_slice %arg9[%add3A_83, %dma_wait3A_84] : memref<125x80xi32, #tpu.memory_space<vmem>> -> memref<1x80xi32, #tpu.memory_space<vmem>>
    %dma_wait3A_86 = tpu.memref_squeeze %dma_wait3A_85 : memref<1x80xi32, #tpu.memory_space<vmem>> -> memref<80xi32, #tpu.memory_space<vmem>>
    %dma_wait3A_87 = arith.constant 0 : i32
    %dma_wait3A_88 = arith.constant 0 : i32
    %dma_wait3A_89 = tpu.memref_slice %arg14[%dma_wait3A_87, %dma_wait3A_88] : memref<10240x128xf32, #tpu.memory_space<vmem_shared>> -> memref<10240x128xf32, #tpu.memory_space<vmem_shared>>
    tpu.wait_indirect_dma semaphore(%arg23 : memref<!tpu.dma_semaphore, #tpu.memory_space<semaphore_mem>>) src(%arg13 : memref<80x128xf32, #tpu.memory_space<vmem>>) dst(%dma_wait3A_89 : memref<10240x128xf32, #tpu.memory_space<vmem_shared>>)
    %scan3A_90 = arith.constant 1 : i32
    %scan3A_91 = arith.constant 0 : i32
    %mul3A_92 = arith.constant 1 : i32
    %mul3A_93 = arith.muli %scan3A_91, %mul3A_92 : i32
    %add3A_94 = arith.constant 124 : i32
    %add3A_95 = arith.addi %add3A_94, %mul3A_93 : i32
    %dma_wait3A_96 = arith.constant 0 : i32
    %dma_wait3A_97 = tpu.memref_slice %arg9[%add3A_95, %dma_wait3A_96] : memref<125x80xi32, #tpu.memory_space<vmem>> -> memref<1x80xi32, #tpu.memory_space<vmem>>
    %dma_wait3A_98 = tpu.memref_squeeze %dma_wait3A_97 : memref<1x80xi32, #tpu.memory_space<vmem>> -> memref<80xi32, #tpu.memory_space<vmem>>
    %dma_wait3A_99 = arith.constant 0 : i32
    %dma_wait3A_100 = arith.constant 0 : i32
    %dma_wait3A_101 = tpu.memref_slice %arg14[%dma_wait3A_99, %dma_wait3A_100] : memref<10240x128xf32, #tpu.memory_space<vmem_shared>> -> memref<10240x128xf32, #tpu.memory_space<vmem_shared>>
    tpu.wait_indirect_dma semaphore(%arg22 : memref<!tpu.dma_semaphore, #tpu.memory_space<semaphore_mem>>) src(%arg12 : memref<80x128xf32, #tpu.memory_space<vmem>>) dst(%dma_wait3A_101 : memref<10240x128xf32, #tpu.memory_space<vmem_shared>>)
    %scan3A_102 = arith.constant 1 : i32
    "tpu.region"() ({
      %run_scoped3A_109 = tpu.sem_alloc : memref<!tpu.dma_semaphore, #tpu.memory_space<semaphore_mem>>
      %dma_start3A_110 = arith.constant 0 : i32
      %dma_start3A_111 = arith.constant 0 : i32
      %dma_start3A_112 = tpu.memref_slice %arg17[%dma_start3A_110, %dma_start3A_111] : memref<80x128xf32, #tpu.memory_space<vmem_shared>> -> memref<80x128xf32, #tpu.memory_space<vmem_shared>>
      tpu.enqueue_indirect_dma source(%arg15 : memref<80x128xf32, #tpu.memory_space<vmem>>) target(%dma_start3A_112 : memref<80x128xf32, #tpu.memory_space<vmem_shared>>) offsets(%arg16 : memref<80xi32, #tpu.memory_space<vmem>>) semaphore(%run_scoped3A_109 : memref<!tpu.dma_semaphore, #tpu.memory_space<semaphore_mem>>) {add = true}
      %dma_wait3A_113 = arith.constant 0 : i32
      %dma_wait3A_114 = arith.constant 0 : i32
      %dma_wait3A_115 = tpu.memref_slice %arg17[%dma_wait3A_113, %dma_wait3A_114] : memref<80x128xf32, #tpu.memory_space<vmem_shared>> -> memref<80x128xf32, #tpu.memory_space<vmem_shared>>
      tpu.wait_indirect_dma semaphore(%run_scoped3A_109 : memref<!tpu.dma_semaphore, #tpu.memory_space<semaphore_mem>>) src(%arg15 : memref<80x128xf32, #tpu.memory_space<vmem>>) dst(%dma_wait3A_115 : memref<80x128xf32, #tpu.memory_space<vmem_shared>>)
      tpu.yield
    }) : () -> ()
    %barrier3A_103 = arith.constant 0 : index
    tpu.barrier barrier_id(%barrier3A_103)
    "tpu.region"() ({
      %run_scoped3A_109 = tpu.sem_alloc : memref<!tpu.dma_semaphore, #tpu.memory_space<semaphore_mem>>
      %dma_start3A_110 = arith.constant 0 : i32
      %dma_start3A_111 = tpu.memref_slice %arg7[%arg0, %mul3A_2, %dma_start3A_110] : memref<2x10240x128xf32, #tpu.memory_space<hbm>> -> memref<1x640x128xf32, #tpu.memory_space<hbm>>
      %dma_start3A_112 = tpu.memref_squeeze %dma_start3A_111 : memref<1x640x128xf32, #tpu.memory_space<hbm>> -> memref<640x128xf32, #tpu.memory_space<hbm>>
      %dma_start3A_113 = arith.constant 0 : i32
      %dma_start3A_114 = tpu.memref_slice %arg14[%mul3A_2, %dma_start3A_113] : memref<10240x128xf32, #tpu.memory_space<vmem_shared>> -> memref<640x128xf32, #tpu.memory_space<vmem_shared>>
      tpu.enqueue_dma source(%dma_start3A_114 : memref<640x128xf32, #tpu.memory_space<vmem_shared>>) target(%dma_start3A_112 : memref<640x128xf32, #tpu.memory_space<hbm>>) target_semaphore(%run_scoped3A_109 : memref<!tpu.dma_semaphore, #tpu.memory_space<semaphore_mem>>)
      %dma_wait3A_115 = arith.constant 0 : i32
      %dma_wait3A_116 = tpu.memref_slice %arg7[%arg0, %mul3A_2, %dma_wait3A_115] : memref<2x10240x128xf32, #tpu.memory_space<hbm>> -> memref<1x640x128xf32, #tpu.memory_space<hbm>>
      %dma_wait3A_117 = tpu.memref_squeeze %dma_wait3A_116 : memref<1x640x128xf32, #tpu.memory_space<hbm>> -> memref<640x128xf32, #tpu.memory_space<hbm>>
      %dma_wait3A_118 = arith.constant 0 : i32
      %dma_wait3A_119 = tpu.memref_slice %arg14[%mul3A_2, %dma_wait3A_118] : memref<10240x128xf32, #tpu.memory_space<vmem_shared>> -> memref<640x128xf32, #tpu.memory_space<vmem_shared>>
      tpu.wait_dma2 semaphore(%run_scoped3A_109 : memref<!tpu.dma_semaphore, #tpu.memory_space<semaphore_mem>>) src(%dma_wait3A_119 : memref<640x128xf32, #tpu.memory_space<vmem_shared>>) dst(%dma_wait3A_117 : memref<640x128xf32, #tpu.memory_space<hbm>>)
      tpu.yield
    }) : () -> ()
    %eq3A_104 = arith.constant 0 : i32
    %eq3A_105 = arith.cmpi eq, %arg1, %eq3A_104 : i32
    %convert_element_type3A_106 = arith.extui %eq3A_105 : i1 to i32
    %cond3A_107 = arith.constant 0 : i32
    %cond3A_108 = arith.cmpi ne, %convert_element_type3A_106, %cond3A_107 : i32
    scf.if %cond3A_108 {
      "tpu.region"() ({
        %run_scoped3A_109 = tpu.sem_alloc : memref<!tpu.dma_semaphore, #tpu.memory_space<semaphore_mem>>
        %dma_start3A_110 = arith.constant 0 : i32
        %dma_start3A_111 = arith.constant 0 : i32
        %dma_start3A_112 = tpu.memref_slice %arg8[%arg0, %dma_start3A_110, %dma_start3A_111] : memref<2x80x128xf32, #tpu.memory_space<hbm>> -> memref<1x80x128xf32, #tpu.memory_space<hbm>>
        %dma_start3A_113 = tpu.memref_squeeze %dma_start3A_112 : memref<1x80x128xf32, #tpu.memory_space<hbm>> -> memref<80x128xf32, #tpu.memory_space<hbm>>
        tpu.enqueue_dma source(%arg17 : memref<80x128xf32, #tpu.memory_space<vmem_shared>>) target(%dma_start3A_113 : memref<80x128xf32, #tpu.memory_space<hbm>>) target_semaphore(%run_scoped3A_109 : memref<!tpu.dma_semaphore, #tpu.memory_space<semaphore_mem>>)
        %dma_wait3A_114 = arith.constant 0 : i32
        %dma_wait3A_115 = arith.constant 0 : i32
        %dma_wait3A_116 = tpu.memref_slice %arg8[%arg0, %dma_wait3A_114, %dma_wait3A_115] : memref<2x80x128xf32, #tpu.memory_space<hbm>> -> memref<1x80x128xf32, #tpu.memory_space<hbm>>
        %dma_wait3A_117 = tpu.memref_squeeze %dma_wait3A_116 : memref<1x80x128xf32, #tpu.memory_space<hbm>> -> memref<80x128xf32, #tpu.memory_space<hbm>>
        tpu.wait_dma2 semaphore(%run_scoped3A_109 : memref<!tpu.dma_semaphore, #tpu.memory_space<semaphore_mem>>) src(%arg17 : memref<80x128xf32, #tpu.memory_space<vmem_shared>>) dst(%dma_wait3A_117 : memref<80x128xf32, #tpu.memory_space<hbm>>)
        tpu.yield
      }) : () -> ()
    } else {
    }
    return
  }
}

#map = affine_map<(d0, d1) -> (0, 0)>
#map1 = affine_map<(d0, d1) -> (0, 0, 0, 0)>
#map2 = affine_map<(d0, d1) -> (0, 0, 0)>
module attributes {stable_mosaic.version = 14 : i64} {
  func.func @fn(%arg0: i32, %arg1: i32, %arg2: memref<10000x128xf32, #tpu.memory_space<hbm>>, %arg3: memref<32x125x1x80xi32, #tpu.memory_space<hbm>>, %arg4: memref<32x125x80xi32, #tpu.memory_space<hbm>>, %arg5: memref<10240x128xf32, #tpu.memory_space<hbm>>, %arg6: memref<1x80xi32, #tpu.memory_space<hbm>>, %arg7: memref<2x10240x128xf32, #tpu.memory_space<hbm>>, %arg8: memref<125x80xi32, #tpu.memory_space<vmem>>, %arg9: memref<1x80xi32, #tpu.memory_space<vmem>>, %arg10: memref<1x80xi32, #tpu.memory_space<vmem>>, %arg11: memref<80x128xf32, #tpu.memory_space<vmem>>, %arg12: memref<80x128xf32, #tpu.memory_space<vmem>>, %arg13: memref<10240x128xf32, #tpu.memory_space<vmem_shared>>, %arg14: memref<8x128xf32, #tpu.memory_space<vmem>>, %arg15: memref<8xi32, #tpu.memory_space<vmem>>, %arg16: memref<8x128xf32, #tpu.memory_space<vmem_shared>>, %arg17: memref<!tpu.dma_semaphore, #tpu.memory_space<semaphore_mem>>, %arg18: memref<!tpu.dma_semaphore, #tpu.memory_space<semaphore_mem>>, %arg19: memref<!tpu.dma_semaphore, #tpu.memory_space<semaphore_mem>>, %arg20: memref<!tpu.dma_semaphore, #tpu.memory_space<semaphore_mem>>, %arg21: memref<!tpu.dma_semaphore, #tpu.memory_space<semaphore_mem>>, %arg22: memref<!tpu.dma_semaphore, #tpu.memory_space<semaphore_mem>>) attributes {dimension_semantics = [#tpu.dimension_semantics<core_parallel>, #tpu.dimension_semantics<subcore_parallel>], iteration_bounds = array<i64: 2, 16>, scalar_prefetch = 0 : i64, scratch_operands = 15 : i64, tpu.core_type = #tpu.core_type<sc_vector_subcore>, window_params = [{transform_indices = #map}, {transform_indices = #map1}, {transform_indices = #map2}, {transform_indices = #map}, {transform_indices = #map}, {transform_indices = #map2}]} {
    %mul3A = arith.constant 2 : i32
    %mul3A_0 = arith.muli %arg1, %mul3A : i32
    %add3A = arith.addi %mul3A_0, %arg0 : i32
    %mul3A_1 = arith.constant 640 : i32
    %mul3A_2 = arith.muli %arg1, %mul3A_1 : i32
    "tpu.region"() ({
      %run_scoped3A = tpu.sem_alloc : memref<!tpu.dma_semaphore, #tpu.memory_space<semaphore_mem>>
      %dma_start3A_95 = arith.constant 0 : i32
      %dma_start3A_96 = tpu.memref_slice %arg13[%mul3A_2, %dma_start3A_95] : memref<10240x128xf32, #tpu.memory_space<vmem_shared>> -> memref<640x128xf32, #tpu.memory_space<vmem_shared>>
      %dma_start3A_97 = arith.constant 0 : i32
      %dma_start3A_98 = tpu.memref_slice %arg5[%mul3A_2, %dma_start3A_97] : memref<10240x128xf32, #tpu.memory_space<hbm>> -> memref<640x128xf32, #tpu.memory_space<hbm>>
      tpu.enqueue_dma source(%dma_start3A_98 : memref<640x128xf32, #tpu.memory_space<hbm>>) target(%dma_start3A_96 : memref<640x128xf32, #tpu.memory_space<vmem_shared>>) target_semaphore(%run_scoped3A : memref<!tpu.dma_semaphore, #tpu.memory_space<semaphore_mem>>)
      %dma_wait3A_99 = arith.constant 0 : i32
      %dma_wait3A_100 = tpu.memref_slice %arg13[%mul3A_2, %dma_wait3A_99] : memref<10240x128xf32, #tpu.memory_space<vmem_shared>> -> memref<640x128xf32, #tpu.memory_space<vmem_shared>>
      %dma_wait3A_101 = arith.constant 0 : i32
      %dma_wait3A_102 = tpu.memref_slice %arg5[%mul3A_2, %dma_wait3A_101] : memref<10240x128xf32, #tpu.memory_space<hbm>> -> memref<640x128xf32, #tpu.memory_space<hbm>>
      tpu.wait_dma2 semaphore(%run_scoped3A : memref<!tpu.dma_semaphore, #tpu.memory_space<semaphore_mem>>) src(%dma_wait3A_102 : memref<640x128xf32, #tpu.memory_space<hbm>>) dst(%dma_wait3A_100 : memref<640x128xf32, #tpu.memory_space<vmem_shared>>)
      tpu.yield
    }) : () -> ()
    "tpu.region"() ({
      %run_scoped3A = tpu.sem_alloc : memref<!tpu.dma_semaphore, #tpu.memory_space<semaphore_mem>>
      %dma_start3A_95 = arith.constant 0 : i32
      %dma_start3A_96 = arith.constant 0 : i32
      %dma_start3A_97 = tpu.memref_slice %arg4[%add3A, %dma_start3A_95, %dma_start3A_96] : memref<32x125x80xi32, #tpu.memory_space<hbm>> -> memref<1x125x80xi32, #tpu.memory_space<hbm>>
      %dma_start3A_98 = tpu.memref_squeeze %dma_start3A_97 : memref<1x125x80xi32, #tpu.memory_space<hbm>> -> memref<125x80xi32, #tpu.memory_space<hbm>>
      %dma_start3A_99 = arith.constant 0 : i32
      %dma_start3A_100 = arith.constant 0 : i32
      %dma_start3A_101 = tpu.memref_slice %arg4[%add3A, %dma_start3A_99, %dma_start3A_100] : memref<32x125x80xi32, #tpu.memory_space<hbm>> -> memref<1x125x80xi32, #tpu.memory_space<hbm>>
      %dma_start3A_102 = tpu.memref_squeeze %dma_start3A_101 : memref<1x125x80xi32, #tpu.memory_space<hbm>> -> memref<125x80xi32, #tpu.memory_space<hbm>>
      tpu.enqueue_dma source(%dma_start3A_102 : memref<125x80xi32, #tpu.memory_space<hbm>>) target(%arg8 : memref<125x80xi32, #tpu.memory_space<vmem>>) target_semaphore(%run_scoped3A : memref<!tpu.dma_semaphore, #tpu.memory_space<semaphore_mem>>)
      %dma_wait3A_103 = arith.constant 0 : i32
      %dma_wait3A_104 = arith.constant 0 : i32
      %dma_wait3A_105 = tpu.memref_slice %arg4[%add3A, %dma_wait3A_103, %dma_wait3A_104] : memref<32x125x80xi32, #tpu.memory_space<hbm>> -> memref<1x125x80xi32, #tpu.memory_space<hbm>>
      %dma_wait3A_106 = tpu.memref_squeeze %dma_wait3A_105 : memref<1x125x80xi32, #tpu.memory_space<hbm>> -> memref<125x80xi32, #tpu.memory_space<hbm>>
      %dma_wait3A_107 = arith.constant 0 : i32
      %dma_wait3A_108 = arith.constant 0 : i32
      %dma_wait3A_109 = tpu.memref_slice %arg4[%add3A, %dma_wait3A_107, %dma_wait3A_108] : memref<32x125x80xi32, #tpu.memory_space<hbm>> -> memref<1x125x80xi32, #tpu.memory_space<hbm>>
      %dma_wait3A_110 = tpu.memref_squeeze %dma_wait3A_109 : memref<1x125x80xi32, #tpu.memory_space<hbm>> -> memref<125x80xi32, #tpu.memory_space<hbm>>
      tpu.wait_dma2 semaphore(%run_scoped3A : memref<!tpu.dma_semaphore, #tpu.memory_space<semaphore_mem>>) src(%dma_wait3A_110 : memref<125x80xi32, #tpu.memory_space<hbm>>) dst(%arg8 : memref<125x80xi32, #tpu.memory_space<vmem>>)
      tpu.yield
    }) : () -> ()
    %barrier3A = arith.constant 0 : index
    tpu.barrier barrier_id(%barrier3A)
    %broadcast_in_dim3A = arith.constant 1.000000e+00 : f32
    %broadcast_in_dim3A_3 = vector.broadcast %broadcast_in_dim3A : f32 to vector<16xf32>
    %dma_start3A = arith.constant 0 : i32
    %dma_start3A_4 = arith.constant 0 : i32
    %dma_start3A_5 = arith.constant 0 : i32
    %dma_start3A_6 = tpu.memref_slice %arg3[%add3A, %dma_start3A, %dma_start3A_4, %dma_start3A_5] : memref<32x125x1x80xi32, #tpu.memory_space<hbm>> -> memref<1x1x1x80xi32, #tpu.memory_space<hbm>>
    %dma_start3A_7 = tpu.memref_squeeze %dma_start3A_6 : memref<1x1x1x80xi32, #tpu.memory_space<hbm>> -> memref<1x80xi32, #tpu.memory_space<hbm>>
    %dma_start3A_8 = arith.constant 0 : i32
    %dma_start3A_9 = arith.constant 0 : i32
    %dma_start3A_10 = tpu.memref_slice %arg3[%add3A, %dma_start3A, %dma_start3A_8, %dma_start3A_9] : memref<32x125x1x80xi32, #tpu.memory_space<hbm>> -> memref<1x1x1x80xi32, #tpu.memory_space<hbm>>
    %dma_start3A_11 = tpu.memref_squeeze %dma_start3A_10 : memref<1x1x1x80xi32, #tpu.memory_space<hbm>> -> memref<1x80xi32, #tpu.memory_space<hbm>>
    tpu.enqueue_dma source(%dma_start3A_11 : memref<1x80xi32, #tpu.memory_space<hbm>>) target(%arg9 : memref<1x80xi32, #tpu.memory_space<vmem>>) target_semaphore(%arg17 : memref<!tpu.dma_semaphore, #tpu.memory_space<semaphore_mem>>)
    %dma_start3A_12 = arith.constant 1 : i32
    %dma_start3A_13 = arith.constant 0 : i32
    %dma_start3A_14 = arith.constant 0 : i32
    %dma_start3A_15 = tpu.memref_slice %arg3[%add3A, %dma_start3A_12, %dma_start3A_13, %dma_start3A_14] : memref<32x125x1x80xi32, #tpu.memory_space<hbm>> -> memref<1x1x1x80xi32, #tpu.memory_space<hbm>>
    %dma_start3A_16 = tpu.memref_squeeze %dma_start3A_15 : memref<1x1x1x80xi32, #tpu.memory_space<hbm>> -> memref<1x80xi32, #tpu.memory_space<hbm>>
    %dma_start3A_17 = arith.constant 0 : i32
    %dma_start3A_18 = arith.constant 0 : i32
    %dma_start3A_19 = tpu.memref_slice %arg3[%add3A, %dma_start3A_12, %dma_start3A_17, %dma_start3A_18] : memref<32x125x1x80xi32, #tpu.memory_space<hbm>> -> memref<1x1x1x80xi32, #tpu.memory_space<hbm>>
    %dma_start3A_20 = tpu.memref_squeeze %dma_start3A_19 : memref<1x1x1x80xi32, #tpu.memory_space<hbm>> -> memref<1x80xi32, #tpu.memory_space<hbm>>
    tpu.enqueue_dma source(%dma_start3A_20 : memref<1x80xi32, #tpu.memory_space<hbm>>) target(%arg10 : memref<1x80xi32, #tpu.memory_space<vmem>>) target_semaphore(%arg18 : memref<!tpu.dma_semaphore, #tpu.memory_space<semaphore_mem>>)
    %dma_wait3A = arith.constant 0 : i32
    %dma_wait3A_21 = arith.constant 0 : i32
    %dma_wait3A_22 = arith.constant 0 : i32
    %dma_wait3A_23 = tpu.memref_slice %arg3[%add3A, %dma_wait3A, %dma_wait3A_21, %dma_wait3A_22] : memref<32x125x1x80xi32, #tpu.memory_space<hbm>> -> memref<1x1x1x80xi32, #tpu.memory_space<hbm>>
    %dma_wait3A_24 = tpu.memref_squeeze %dma_wait3A_23 : memref<1x1x1x80xi32, #tpu.memory_space<hbm>> -> memref<1x80xi32, #tpu.memory_space<hbm>>
    %dma_wait3A_25 = arith.constant 0 : i32
    %dma_wait3A_26 = arith.constant 0 : i32
    %dma_wait3A_27 = tpu.memref_slice %arg3[%add3A, %dma_wait3A, %dma_wait3A_25, %dma_wait3A_26] : memref<32x125x1x80xi32, #tpu.memory_space<hbm>> -> memref<1x1x1x80xi32, #tpu.memory_space<hbm>>
    %dma_wait3A_28 = tpu.memref_squeeze %dma_wait3A_27 : memref<1x1x1x80xi32, #tpu.memory_space<hbm>> -> memref<1x80xi32, #tpu.memory_space<hbm>>
    tpu.wait_dma2 semaphore(%arg17 : memref<!tpu.dma_semaphore, #tpu.memory_space<semaphore_mem>>) src(%dma_wait3A_28 : memref<1x80xi32, #tpu.memory_space<hbm>>) dst(%arg9 : memref<1x80xi32, #tpu.memory_space<vmem>>)
    %dma_start3A_29 = arith.constant 0 : i32
    %dma_start3A_30 = arith.constant 0 : i32
    %dma_start3A_31 = tpu.memref_slice %arg9[%dma_start3A_29, %dma_start3A_30] : memref<1x80xi32, #tpu.memory_space<vmem>> -> memref<1x80xi32, #tpu.memory_space<vmem>>
    %dma_start3A_32 = tpu.memref_squeeze %dma_start3A_31 : memref<1x80xi32, #tpu.memory_space<vmem>> -> memref<80xi32, #tpu.memory_space<vmem>>
    %dma_start3A_33 = arith.constant 0 : i32
    %dma_start3A_34 = arith.constant 0 : i32
    %dma_start3A_35 = tpu.memref_slice %arg2[%dma_start3A_33, %dma_start3A_34] : memref<10000x128xf32, #tpu.memory_space<hbm>> -> memref<10000x128xf32, #tpu.memory_space<hbm>>
    tpu.enqueue_indirect_dma source(%dma_start3A_35 : memref<10000x128xf32, #tpu.memory_space<hbm>>) target(%arg11 : memref<80x128xf32, #tpu.memory_space<vmem>>) offsets(%dma_start3A_32 : memref<80xi32, #tpu.memory_space<vmem>>) semaphore(%arg19 : memref<!tpu.dma_semaphore, #tpu.memory_space<semaphore_mem>>)
    %scan3A = arith.constant 0 : i32
    %scan3A_36 = arith.constant 62 : i32
    %scan3A_37 = arith.addi %scan3A, %scan3A_36 : i32
    %scan3A_38 = arith.constant 1 : i32
    scf.for %scan3A_95 = %scan3A to %scan3A_37 step %scan3A_38  : i32 {
      %mul3A_96 = arith.constant 2 : i32
      %mul3A_97 = arith.muli %scan3A_95, %mul3A_96 : i32
      %add3A_98 = arith.constant 0 : i32
      %add3A_99 = arith.addi %add3A_98, %mul3A_97 : i32
      %add3A_100 = arith.constant 0 : i32
      %add3A_101 = arith.addi %add3A_99, %add3A_100 : i32
      %dma_wait3A_102 = arith.constant 0 : i32
      %dma_wait3A_103 = arith.constant 0 : i32
      %dma_wait3A_104 = tpu.memref_slice %arg9[%dma_wait3A_102, %dma_wait3A_103] : memref<1x80xi32, #tpu.memory_space<vmem>> -> memref<1x80xi32, #tpu.memory_space<vmem>>
      %dma_wait3A_105 = tpu.memref_squeeze %dma_wait3A_104 : memref<1x80xi32, #tpu.memory_space<vmem>> -> memref<80xi32, #tpu.memory_space<vmem>>
      %dma_wait3A_106 = arith.constant 0 : i32
      %dma_wait3A_107 = arith.constant 0 : i32
      %dma_wait3A_108 = tpu.memref_slice %arg2[%dma_wait3A_106, %dma_wait3A_107] : memref<10000x128xf32, #tpu.memory_space<hbm>> -> memref<10000x128xf32, #tpu.memory_space<hbm>>
      tpu.wait_indirect_dma semaphore(%arg19 : memref<!tpu.dma_semaphore, #tpu.memory_space<semaphore_mem>>) src(%dma_wait3A_108 : memref<10000x128xf32, #tpu.memory_space<hbm>>) dst(%arg11 : memref<80x128xf32, #tpu.memory_space<vmem>>)
      %dma_start3A_109 = arith.constant 0 : i32
      %dma_start3A_110 = tpu.memref_slice %arg8[%add3A_101, %dma_start3A_109] : memref<125x80xi32, #tpu.memory_space<vmem>> -> memref<1x80xi32, #tpu.memory_space<vmem>>
      %dma_start3A_111 = tpu.memref_squeeze %dma_start3A_110 : memref<1x80xi32, #tpu.memory_space<vmem>> -> memref<80xi32, #tpu.memory_space<vmem>>
      %dma_start3A_112 = arith.constant 0 : i32
      %dma_start3A_113 = arith.constant 0 : i32
      %dma_start3A_114 = tpu.memref_slice %arg13[%dma_start3A_112, %dma_start3A_113] : memref<10240x128xf32, #tpu.memory_space<vmem_shared>> -> memref<10240x128xf32, #tpu.memory_space<vmem_shared>>
      tpu.enqueue_indirect_dma source(%arg11 : memref<80x128xf32, #tpu.memory_space<vmem>>) target(%dma_start3A_114 : memref<10240x128xf32, #tpu.memory_space<vmem_shared>>) offsets(%dma_start3A_111 : memref<80xi32, #tpu.memory_space<vmem>>) semaphore(%arg21 : memref<!tpu.dma_semaphore, #tpu.memory_space<semaphore_mem>>) {add = true}
      %add3A_115 = arith.constant 2 : i32
      %add3A_116 = arith.addi %add3A_101, %add3A_115 : i32
      %lt3A_117 = arith.constant 125 : i32
      %lt3A_118 = arith.cmpi slt, %add3A_116, %lt3A_117 : i32
      %convert_element_type3A_119 = arith.extui %lt3A_118 : i1 to i32
      %cond3A_120 = arith.constant 0 : i32
      %cond3A_121 = arith.cmpi ne, %convert_element_type3A_119, %cond3A_120 : i32
      scf.if %cond3A_121 {
        %add3A_158 = arith.constant 2 : i32
        %add3A_159 = arith.addi %add3A_101, %add3A_158 : i32
        %dma_start3A_160 = arith.constant 0 : i32
        %dma_start3A_161 = arith.constant 0 : i32
        %dma_start3A_162 = tpu.memref_slice %arg3[%add3A, %add3A_159, %dma_start3A_160, %dma_start3A_161] : memref<32x125x1x80xi32, #tpu.memory_space<hbm>> -> memref<1x1x1x80xi32, #tpu.memory_space<hbm>>
        %dma_start3A_163 = tpu.memref_squeeze %dma_start3A_162 : memref<1x1x1x80xi32, #tpu.memory_space<hbm>> -> memref<1x80xi32, #tpu.memory_space<hbm>>
        %dma_start3A_164 = arith.constant 0 : i32
        %dma_start3A_165 = arith.constant 0 : i32
        %dma_start3A_166 = tpu.memref_slice %arg3[%add3A, %add3A_159, %dma_start3A_164, %dma_start3A_165] : memref<32x125x1x80xi32, #tpu.memory_space<hbm>> -> memref<1x1x1x80xi32, #tpu.memory_space<hbm>>
        %dma_start3A_167 = tpu.memref_squeeze %dma_start3A_166 : memref<1x1x1x80xi32, #tpu.memory_space<hbm>> -> memref<1x80xi32, #tpu.memory_space<hbm>>
        tpu.enqueue_dma source(%dma_start3A_167 : memref<1x80xi32, #tpu.memory_space<hbm>>) target(%arg9 : memref<1x80xi32, #tpu.memory_space<vmem>>) target_semaphore(%arg17 : memref<!tpu.dma_semaphore, #tpu.memory_space<semaphore_mem>>)
      } else {
      }
      %add3A_122 = arith.constant 1 : i32
      %add3A_123 = arith.addi %add3A_101, %add3A_122 : i32
      %lt3A_124 = arith.constant 125 : i32
      %lt3A_125 = arith.cmpi slt, %add3A_123, %lt3A_124 : i32
      %convert_element_type3A_126 = arith.extui %lt3A_125 : i1 to i32
      %cond3A_127 = arith.constant 0 : i32
      %cond3A_128 = arith.cmpi ne, %convert_element_type3A_126, %cond3A_127 : i32
      scf.if %cond3A_128 {
        %add3A_158 = arith.constant 1 : i32
        %add3A_159 = arith.addi %add3A_101, %add3A_158 : i32
        %ge3A = arith.constant 2 : i32
        %ge3A_160 = arith.cmpi sge, %add3A_159, %ge3A : i32
        %convert_element_type3A_161 = arith.extui %ge3A_160 : i1 to i32
        %cond3A_162 = arith.constant 0 : i32
        %cond3A_163 = arith.cmpi ne, %convert_element_type3A_161, %cond3A_162 : i32
        scf.if %cond3A_163 {
          %add3A_181 = arith.constant 1 : i32
          %add3A_182 = arith.addi %add3A_101, %add3A_181 : i32
          %sub3A = arith.constant 2 : i32
          %sub3A_183 = arith.subi %add3A_182, %sub3A : i32
          %dma_wait3A_184 = arith.constant 0 : i32
          %dma_wait3A_185 = tpu.memref_slice %arg8[%sub3A_183, %dma_wait3A_184] : memref<125x80xi32, #tpu.memory_space<vmem>> -> memref<1x80xi32, #tpu.memory_space<vmem>>
          %dma_wait3A_186 = tpu.memref_squeeze %dma_wait3A_185 : memref<1x80xi32, #tpu.memory_space<vmem>> -> memref<80xi32, #tpu.memory_space<vmem>>
          %dma_wait3A_187 = arith.constant 0 : i32
          %dma_wait3A_188 = arith.constant 0 : i32
          %dma_wait3A_189 = tpu.memref_slice %arg13[%dma_wait3A_187, %dma_wait3A_188] : memref<10240x128xf32, #tpu.memory_space<vmem_shared>> -> memref<10240x128xf32, #tpu.memory_space<vmem_shared>>
          tpu.wait_indirect_dma semaphore(%arg22 : memref<!tpu.dma_semaphore, #tpu.memory_space<semaphore_mem>>) src(%arg12 : memref<80x128xf32, #tpu.memory_space<vmem>>) dst(%dma_wait3A_189 : memref<10240x128xf32, #tpu.memory_space<vmem_shared>>)
        } else {
        }
        %add3A_164 = arith.constant 1 : i32
        %add3A_165 = arith.addi %add3A_101, %add3A_164 : i32
        %dma_wait3A_166 = arith.constant 0 : i32
        %dma_wait3A_167 = arith.constant 0 : i32
        %dma_wait3A_168 = tpu.memref_slice %arg3[%add3A, %add3A_165, %dma_wait3A_166, %dma_wait3A_167] : memref<32x125x1x80xi32, #tpu.memory_space<hbm>> -> memref<1x1x1x80xi32, #tpu.memory_space<hbm>>
        %dma_wait3A_169 = tpu.memref_squeeze %dma_wait3A_168 : memref<1x1x1x80xi32, #tpu.memory_space<hbm>> -> memref<1x80xi32, #tpu.memory_space<hbm>>
        %dma_wait3A_170 = arith.constant 0 : i32
        %dma_wait3A_171 = arith.constant 0 : i32
        %dma_wait3A_172 = tpu.memref_slice %arg3[%add3A, %add3A_165, %dma_wait3A_170, %dma_wait3A_171] : memref<32x125x1x80xi32, #tpu.memory_space<hbm>> -> memref<1x1x1x80xi32, #tpu.memory_space<hbm>>
        %dma_wait3A_173 = tpu.memref_squeeze %dma_wait3A_172 : memref<1x1x1x80xi32, #tpu.memory_space<hbm>> -> memref<1x80xi32, #tpu.memory_space<hbm>>
        tpu.wait_dma2 semaphore(%arg18 : memref<!tpu.dma_semaphore, #tpu.memory_space<semaphore_mem>>) src(%dma_wait3A_173 : memref<1x80xi32, #tpu.memory_space<hbm>>) dst(%arg10 : memref<1x80xi32, #tpu.memory_space<vmem>>)
        %dma_start3A_174 = arith.constant 0 : i32
        %dma_start3A_175 = arith.constant 0 : i32
        %dma_start3A_176 = tpu.memref_slice %arg10[%dma_start3A_174, %dma_start3A_175] : memref<1x80xi32, #tpu.memory_space<vmem>> -> memref<1x80xi32, #tpu.memory_space<vmem>>
        %dma_start3A_177 = tpu.memref_squeeze %dma_start3A_176 : memref<1x80xi32, #tpu.memory_space<vmem>> -> memref<80xi32, #tpu.memory_space<vmem>>
        %dma_start3A_178 = arith.constant 0 : i32
        %dma_start3A_179 = arith.constant 0 : i32
        %dma_start3A_180 = tpu.memref_slice %arg2[%dma_start3A_178, %dma_start3A_179] : memref<10000x128xf32, #tpu.memory_space<hbm>> -> memref<10000x128xf32, #tpu.memory_space<hbm>>
        tpu.enqueue_indirect_dma source(%dma_start3A_180 : memref<10000x128xf32, #tpu.memory_space<hbm>>) target(%arg12 : memref<80x128xf32, #tpu.memory_space<vmem>>) offsets(%dma_start3A_177 : memref<80xi32, #tpu.memory_space<vmem>>) semaphore(%arg20 : memref<!tpu.dma_semaphore, #tpu.memory_space<semaphore_mem>>)
      } else {
      }
      %add3A_129 = arith.constant 1 : i32
      %add3A_130 = arith.addi %add3A_99, %add3A_129 : i32
      %dma_wait3A_131 = arith.constant 0 : i32
      %dma_wait3A_132 = arith.constant 0 : i32
      %dma_wait3A_133 = tpu.memref_slice %arg10[%dma_wait3A_131, %dma_wait3A_132] : memref<1x80xi32, #tpu.memory_space<vmem>> -> memref<1x80xi32, #tpu.memory_space<vmem>>
      %dma_wait3A_134 = tpu.memref_squeeze %dma_wait3A_133 : memref<1x80xi32, #tpu.memory_space<vmem>> -> memref<80xi32, #tpu.memory_space<vmem>>
      %dma_wait3A_135 = arith.constant 0 : i32
      %dma_wait3A_136 = arith.constant 0 : i32
      %dma_wait3A_137 = tpu.memref_slice %arg2[%dma_wait3A_135, %dma_wait3A_136] : memref<10000x128xf32, #tpu.memory_space<hbm>> -> memref<10000x128xf32, #tpu.memory_space<hbm>>
      tpu.wait_indirect_dma semaphore(%arg20 : memref<!tpu.dma_semaphore, #tpu.memory_space<semaphore_mem>>) src(%dma_wait3A_137 : memref<10000x128xf32, #tpu.memory_space<hbm>>) dst(%arg12 : memref<80x128xf32, #tpu.memory_space<vmem>>)
      %dma_start3A_138 = arith.constant 0 : i32
      %dma_start3A_139 = tpu.memref_slice %arg8[%add3A_130, %dma_start3A_138] : memref<125x80xi32, #tpu.memory_space<vmem>> -> memref<1x80xi32, #tpu.memory_space<vmem>>
      %dma_start3A_140 = tpu.memref_squeeze %dma_start3A_139 : memref<1x80xi32, #tpu.memory_space<vmem>> -> memref<80xi32, #tpu.memory_space<vmem>>
      %dma_start3A_141 = arith.constant 0 : i32
      %dma_start3A_142 = arith.constant 0 : i32
      %dma_start3A_143 = tpu.memref_slice %arg13[%dma_start3A_141, %dma_start3A_142] : memref<10240x128xf32, #tpu.memory_space<vmem_shared>> -> memref<10240x128xf32, #tpu.memory_space<vmem_shared>>
      tpu.enqueue_indirect_dma source(%arg12 : memref<80x128xf32, #tpu.memory_space<vmem>>) target(%dma_start3A_143 : memref<10240x128xf32, #tpu.memory_space<vmem_shared>>) offsets(%dma_start3A_140 : memref<80xi32, #tpu.memory_space<vmem>>) semaphore(%arg22 : memref<!tpu.dma_semaphore, #tpu.memory_space<semaphore_mem>>) {add = true}
      %add3A_144 = arith.constant 2 : i32
      %add3A_145 = arith.addi %add3A_130, %add3A_144 : i32
      %lt3A_146 = arith.constant 125 : i32
      %lt3A_147 = arith.cmpi slt, %add3A_145, %lt3A_146 : i32
      %convert_element_type3A_148 = arith.extui %lt3A_147 : i1 to i32
      %cond3A_149 = arith.constant 0 : i32
      %cond3A_150 = arith.cmpi ne, %convert_element_type3A_148, %cond3A_149 : i32
      scf.if %cond3A_150 {
        %add3A_158 = arith.constant 2 : i32
        %add3A_159 = arith.addi %add3A_130, %add3A_158 : i32
        %dma_start3A_160 = arith.constant 0 : i32
        %dma_start3A_161 = arith.constant 0 : i32
        %dma_start3A_162 = tpu.memref_slice %arg3[%add3A, %add3A_159, %dma_start3A_160, %dma_start3A_161] : memref<32x125x1x80xi32, #tpu.memory_space<hbm>> -> memref<1x1x1x80xi32, #tpu.memory_space<hbm>>
        %dma_start3A_163 = tpu.memref_squeeze %dma_start3A_162 : memref<1x1x1x80xi32, #tpu.memory_space<hbm>> -> memref<1x80xi32, #tpu.memory_space<hbm>>
        %dma_start3A_164 = arith.constant 0 : i32
        %dma_start3A_165 = arith.constant 0 : i32
        %dma_start3A_166 = tpu.memref_slice %arg3[%add3A, %add3A_159, %dma_start3A_164, %dma_start3A_165] : memref<32x125x1x80xi32, #tpu.memory_space<hbm>> -> memref<1x1x1x80xi32, #tpu.memory_space<hbm>>
        %dma_start3A_167 = tpu.memref_squeeze %dma_start3A_166 : memref<1x1x1x80xi32, #tpu.memory_space<hbm>> -> memref<1x80xi32, #tpu.memory_space<hbm>>
        tpu.enqueue_dma source(%dma_start3A_167 : memref<1x80xi32, #tpu.memory_space<hbm>>) target(%arg10 : memref<1x80xi32, #tpu.memory_space<vmem>>) target_semaphore(%arg18 : memref<!tpu.dma_semaphore, #tpu.memory_space<semaphore_mem>>)
      } else {
      }
      %add3A_151 = arith.constant 1 : i32
      %add3A_152 = arith.addi %add3A_130, %add3A_151 : i32
      %lt3A_153 = arith.constant 125 : i32
      %lt3A_154 = arith.cmpi slt, %add3A_152, %lt3A_153 : i32
      %convert_element_type3A_155 = arith.extui %lt3A_154 : i1 to i32
      %cond3A_156 = arith.constant 0 : i32
      %cond3A_157 = arith.cmpi ne, %convert_element_type3A_155, %cond3A_156 : i32
      scf.if %cond3A_157 {
        %add3A_158 = arith.constant 1 : i32
        %add3A_159 = arith.addi %add3A_130, %add3A_158 : i32
        %ge3A = arith.constant 2 : i32
        %ge3A_160 = arith.cmpi sge, %add3A_159, %ge3A : i32
        %convert_element_type3A_161 = arith.extui %ge3A_160 : i1 to i32
        %cond3A_162 = arith.constant 0 : i32
        %cond3A_163 = arith.cmpi ne, %convert_element_type3A_161, %cond3A_162 : i32
        scf.if %cond3A_163 {
          %add3A_181 = arith.constant 1 : i32
          %add3A_182 = arith.addi %add3A_130, %add3A_181 : i32
          %sub3A = arith.constant 2 : i32
          %sub3A_183 = arith.subi %add3A_182, %sub3A : i32
          %dma_wait3A_184 = arith.constant 0 : i32
          %dma_wait3A_185 = tpu.memref_slice %arg8[%sub3A_183, %dma_wait3A_184] : memref<125x80xi32, #tpu.memory_space<vmem>> -> memref<1x80xi32, #tpu.memory_space<vmem>>
          %dma_wait3A_186 = tpu.memref_squeeze %dma_wait3A_185 : memref<1x80xi32, #tpu.memory_space<vmem>> -> memref<80xi32, #tpu.memory_space<vmem>>
          %dma_wait3A_187 = arith.constant 0 : i32
          %dma_wait3A_188 = arith.constant 0 : i32
          %dma_wait3A_189 = tpu.memref_slice %arg13[%dma_wait3A_187, %dma_wait3A_188] : memref<10240x128xf32, #tpu.memory_space<vmem_shared>> -> memref<10240x128xf32, #tpu.memory_space<vmem_shared>>
          tpu.wait_indirect_dma semaphore(%arg21 : memref<!tpu.dma_semaphore, #tpu.memory_space<semaphore_mem>>) src(%arg11 : memref<80x128xf32, #tpu.memory_space<vmem>>) dst(%dma_wait3A_189 : memref<10240x128xf32, #tpu.memory_space<vmem_shared>>)
        } else {
        }
        %add3A_164 = arith.constant 1 : i32
        %add3A_165 = arith.addi %add3A_130, %add3A_164 : i32
        %dma_wait3A_166 = arith.constant 0 : i32
        %dma_wait3A_167 = arith.constant 0 : i32
        %dma_wait3A_168 = tpu.memref_slice %arg3[%add3A, %add3A_165, %dma_wait3A_166, %dma_wait3A_167] : memref<32x125x1x80xi32, #tpu.memory_space<hbm>> -> memref<1x1x1x80xi32, #tpu.memory_space<hbm>>
        %dma_wait3A_169 = tpu.memref_squeeze %dma_wait3A_168 : memref<1x1x1x80xi32, #tpu.memory_space<hbm>> -> memref<1x80xi32, #tpu.memory_space<hbm>>
        %dma_wait3A_170 = arith.constant 0 : i32
        %dma_wait3A_171 = arith.constant 0 : i32
        %dma_wait3A_172 = tpu.memref_slice %arg3[%add3A, %add3A_165, %dma_wait3A_170, %dma_wait3A_171] : memref<32x125x1x80xi32, #tpu.memory_space<hbm>> -> memref<1x1x1x80xi32, #tpu.memory_space<hbm>>
        %dma_wait3A_173 = tpu.memref_squeeze %dma_wait3A_172 : memref<1x1x1x80xi32, #tpu.memory_space<hbm>> -> memref<1x80xi32, #tpu.memory_space<hbm>>
        tpu.wait_dma2 semaphore(%arg17 : memref<!tpu.dma_semaphore, #tpu.memory_space<semaphore_mem>>) src(%dma_wait3A_173 : memref<1x80xi32, #tpu.memory_space<hbm>>) dst(%arg9 : memref<1x80xi32, #tpu.memory_space<vmem>>)
        %dma_start3A_174 = arith.constant 0 : i32
        %dma_start3A_175 = arith.constant 0 : i32
        %dma_start3A_176 = tpu.memref_slice %arg9[%dma_start3A_174, %dma_start3A_175] : memref<1x80xi32, #tpu.memory_space<vmem>> -> memref<1x80xi32, #tpu.memory_space<vmem>>
        %dma_start3A_177 = tpu.memref_squeeze %dma_start3A_176 : memref<1x80xi32, #tpu.memory_space<vmem>> -> memref<80xi32, #tpu.memory_space<vmem>>
        %dma_start3A_178 = arith.constant 0 : i32
        %dma_start3A_179 = arith.constant 0 : i32
        %dma_start3A_180 = tpu.memref_slice %arg2[%dma_start3A_178, %dma_start3A_179] : memref<10000x128xf32, #tpu.memory_space<hbm>> -> memref<10000x128xf32, #tpu.memory_space<hbm>>
        tpu.enqueue_indirect_dma source(%dma_start3A_180 : memref<10000x128xf32, #tpu.memory_space<hbm>>) target(%arg11 : memref<80x128xf32, #tpu.memory_space<vmem>>) offsets(%dma_start3A_177 : memref<80xi32, #tpu.memory_space<vmem>>) semaphore(%arg19 : memref<!tpu.dma_semaphore, #tpu.memory_space<semaphore_mem>>)
      } else {
      }
    }
    %scan3A_39 = arith.constant 62 : i32
    %scan3A_40 = arith.constant 0 : i32
    %mul3A_41 = arith.constant 1 : i32
    %mul3A_42 = arith.muli %scan3A_40, %mul3A_41 : i32
    %add3A_43 = arith.constant 124 : i32
    %add3A_44 = arith.addi %add3A_43, %mul3A_42 : i32
    %dma_wait3A_45 = arith.constant 0 : i32
    %dma_wait3A_46 = arith.constant 0 : i32
    %dma_wait3A_47 = tpu.memref_slice %arg9[%dma_wait3A_45, %dma_wait3A_46] : memref<1x80xi32, #tpu.memory_space<vmem>> -> memref<1x80xi32, #tpu.memory_space<vmem>>
    %dma_wait3A_48 = tpu.memref_squeeze %dma_wait3A_47 : memref<1x80xi32, #tpu.memory_space<vmem>> -> memref<80xi32, #tpu.memory_space<vmem>>
    %dma_wait3A_49 = arith.constant 0 : i32
    %dma_wait3A_50 = arith.constant 0 : i32
    %dma_wait3A_51 = tpu.memref_slice %arg2[%dma_wait3A_49, %dma_wait3A_50] : memref<10000x128xf32, #tpu.memory_space<hbm>> -> memref<10000x128xf32, #tpu.memory_space<hbm>>
    tpu.wait_indirect_dma semaphore(%arg19 : memref<!tpu.dma_semaphore, #tpu.memory_space<semaphore_mem>>) src(%dma_wait3A_51 : memref<10000x128xf32, #tpu.memory_space<hbm>>) dst(%arg11 : memref<80x128xf32, #tpu.memory_space<vmem>>)
    %dma_start3A_52 = arith.constant 0 : i32
    %dma_start3A_53 = tpu.memref_slice %arg8[%add3A_44, %dma_start3A_52] : memref<125x80xi32, #tpu.memory_space<vmem>> -> memref<1x80xi32, #tpu.memory_space<vmem>>
    %dma_start3A_54 = tpu.memref_squeeze %dma_start3A_53 : memref<1x80xi32, #tpu.memory_space<vmem>> -> memref<80xi32, #tpu.memory_space<vmem>>
    %dma_start3A_55 = arith.constant 0 : i32
    %dma_start3A_56 = arith.constant 0 : i32
    %dma_start3A_57 = tpu.memref_slice %arg13[%dma_start3A_55, %dma_start3A_56] : memref<10240x128xf32, #tpu.memory_space<vmem_shared>> -> memref<10240x128xf32, #tpu.memory_space<vmem_shared>>
    tpu.enqueue_indirect_dma source(%arg11 : memref<80x128xf32, #tpu.memory_space<vmem>>) target(%dma_start3A_57 : memref<10240x128xf32, #tpu.memory_space<vmem_shared>>) offsets(%dma_start3A_54 : memref<80xi32, #tpu.memory_space<vmem>>) semaphore(%arg21 : memref<!tpu.dma_semaphore, #tpu.memory_space<semaphore_mem>>) {add = true}
    %add3A_58 = arith.constant 2 : i32
    %add3A_59 = arith.addi %add3A_44, %add3A_58 : i32
    %lt3A = arith.constant 125 : i32
    %lt3A_60 = arith.cmpi slt, %add3A_59, %lt3A : i32
    %convert_element_type3A = arith.extui %lt3A_60 : i1 to i32
    %cond3A = arith.constant 0 : i32
    %cond3A_61 = arith.cmpi ne, %convert_element_type3A, %cond3A : i32
    scf.if %cond3A_61 {
      %add3A_95 = arith.constant 2 : i32
      %add3A_96 = arith.addi %add3A_44, %add3A_95 : i32
      %dma_start3A_97 = arith.constant 0 : i32
      %dma_start3A_98 = arith.constant 0 : i32
      %dma_start3A_99 = tpu.memref_slice %arg3[%add3A, %add3A_96, %dma_start3A_97, %dma_start3A_98] : memref<32x125x1x80xi32, #tpu.memory_space<hbm>> -> memref<1x1x1x80xi32, #tpu.memory_space<hbm>>
      %dma_start3A_100 = tpu.memref_squeeze %dma_start3A_99 : memref<1x1x1x80xi32, #tpu.memory_space<hbm>> -> memref<1x80xi32, #tpu.memory_space<hbm>>
      %dma_start3A_101 = arith.constant 0 : i32
      %dma_start3A_102 = arith.constant 0 : i32
      %dma_start3A_103 = tpu.memref_slice %arg3[%add3A, %add3A_96, %dma_start3A_101, %dma_start3A_102] : memref<32x125x1x80xi32, #tpu.memory_space<hbm>> -> memref<1x1x1x80xi32, #tpu.memory_space<hbm>>
      %dma_start3A_104 = tpu.memref_squeeze %dma_start3A_103 : memref<1x1x1x80xi32, #tpu.memory_space<hbm>> -> memref<1x80xi32, #tpu.memory_space<hbm>>
      tpu.enqueue_dma source(%dma_start3A_104 : memref<1x80xi32, #tpu.memory_space<hbm>>) target(%arg9 : memref<1x80xi32, #tpu.memory_space<vmem>>) target_semaphore(%arg17 : memref<!tpu.dma_semaphore, #tpu.memory_space<semaphore_mem>>)
    } else {
    }
    %add3A_62 = arith.constant 1 : i32
    %add3A_63 = arith.addi %add3A_44, %add3A_62 : i32
    %lt3A_64 = arith.constant 125 : i32
    %lt3A_65 = arith.cmpi slt, %add3A_63, %lt3A_64 : i32
    %convert_element_type3A_66 = arith.extui %lt3A_65 : i1 to i32
    %cond3A_67 = arith.constant 0 : i32
    %cond3A_68 = arith.cmpi ne, %convert_element_type3A_66, %cond3A_67 : i32
    scf.if %cond3A_68 {
      %add3A_95 = arith.constant 1 : i32
      %add3A_96 = arith.addi %add3A_44, %add3A_95 : i32
      %ge3A = arith.constant 2 : i32
      %ge3A_97 = arith.cmpi sge, %add3A_96, %ge3A : i32
      %convert_element_type3A_98 = arith.extui %ge3A_97 : i1 to i32
      %cond3A_99 = arith.constant 0 : i32
      %cond3A_100 = arith.cmpi ne, %convert_element_type3A_98, %cond3A_99 : i32
      scf.if %cond3A_100 {
        %add3A_118 = arith.constant 1 : i32
        %add3A_119 = arith.addi %add3A_44, %add3A_118 : i32
        %sub3A = arith.constant 2 : i32
        %sub3A_120 = arith.subi %add3A_119, %sub3A : i32
        %dma_wait3A_121 = arith.constant 0 : i32
        %dma_wait3A_122 = tpu.memref_slice %arg8[%sub3A_120, %dma_wait3A_121] : memref<125x80xi32, #tpu.memory_space<vmem>> -> memref<1x80xi32, #tpu.memory_space<vmem>>
        %dma_wait3A_123 = tpu.memref_squeeze %dma_wait3A_122 : memref<1x80xi32, #tpu.memory_space<vmem>> -> memref<80xi32, #tpu.memory_space<vmem>>
        %dma_wait3A_124 = arith.constant 0 : i32
        %dma_wait3A_125 = arith.constant 0 : i32
        %dma_wait3A_126 = tpu.memref_slice %arg13[%dma_wait3A_124, %dma_wait3A_125] : memref<10240x128xf32, #tpu.memory_space<vmem_shared>> -> memref<10240x128xf32, #tpu.memory_space<vmem_shared>>
        tpu.wait_indirect_dma semaphore(%arg22 : memref<!tpu.dma_semaphore, #tpu.memory_space<semaphore_mem>>) src(%arg12 : memref<80x128xf32, #tpu.memory_space<vmem>>) dst(%dma_wait3A_126 : memref<10240x128xf32, #tpu.memory_space<vmem_shared>>)
      } else {
      }
      %add3A_101 = arith.constant 1 : i32
      %add3A_102 = arith.addi %add3A_44, %add3A_101 : i32
      %dma_wait3A_103 = arith.constant 0 : i32
      %dma_wait3A_104 = arith.constant 0 : i32
      %dma_wait3A_105 = tpu.memref_slice %arg3[%add3A, %add3A_102, %dma_wait3A_103, %dma_wait3A_104] : memref<32x125x1x80xi32, #tpu.memory_space<hbm>> -> memref<1x1x1x80xi32, #tpu.memory_space<hbm>>
      %dma_wait3A_106 = tpu.memref_squeeze %dma_wait3A_105 : memref<1x1x1x80xi32, #tpu.memory_space<hbm>> -> memref<1x80xi32, #tpu.memory_space<hbm>>
      %dma_wait3A_107 = arith.constant 0 : i32
      %dma_wait3A_108 = arith.constant 0 : i32
      %dma_wait3A_109 = tpu.memref_slice %arg3[%add3A, %add3A_102, %dma_wait3A_107, %dma_wait3A_108] : memref<32x125x1x80xi32, #tpu.memory_space<hbm>> -> memref<1x1x1x80xi32, #tpu.memory_space<hbm>>
      %dma_wait3A_110 = tpu.memref_squeeze %dma_wait3A_109 : memref<1x1x1x80xi32, #tpu.memory_space<hbm>> -> memref<1x80xi32, #tpu.memory_space<hbm>>
      tpu.wait_dma2 semaphore(%arg18 : memref<!tpu.dma_semaphore, #tpu.memory_space<semaphore_mem>>) src(%dma_wait3A_110 : memref<1x80xi32, #tpu.memory_space<hbm>>) dst(%arg10 : memref<1x80xi32, #tpu.memory_space<vmem>>)
      %dma_start3A_111 = arith.constant 0 : i32
      %dma_start3A_112 = arith.constant 0 : i32
      %dma_start3A_113 = tpu.memref_slice %arg10[%dma_start3A_111, %dma_start3A_112] : memref<1x80xi32, #tpu.memory_space<vmem>> -> memref<1x80xi32, #tpu.memory_space<vmem>>
      %dma_start3A_114 = tpu.memref_squeeze %dma_start3A_113 : memref<1x80xi32, #tpu.memory_space<vmem>> -> memref<80xi32, #tpu.memory_space<vmem>>
      %dma_start3A_115 = arith.constant 0 : i32
      %dma_start3A_116 = arith.constant 0 : i32
      %dma_start3A_117 = tpu.memref_slice %arg2[%dma_start3A_115, %dma_start3A_116] : memref<10000x128xf32, #tpu.memory_space<hbm>> -> memref<10000x128xf32, #tpu.memory_space<hbm>>
      tpu.enqueue_indirect_dma source(%dma_start3A_117 : memref<10000x128xf32, #tpu.memory_space<hbm>>) target(%arg12 : memref<80x128xf32, #tpu.memory_space<vmem>>) offsets(%dma_start3A_114 : memref<80xi32, #tpu.memory_space<vmem>>) semaphore(%arg20 : memref<!tpu.dma_semaphore, #tpu.memory_space<semaphore_mem>>)
    } else {
    }
    %scan3A_69 = arith.constant 1 : i32
    %scan3A_70 = arith.constant 0 : i32
    %mul3A_71 = arith.constant 1 : i32
    %mul3A_72 = arith.muli %scan3A_70, %mul3A_71 : i32
    %add3A_73 = arith.constant 123 : i32
    %add3A_74 = arith.addi %add3A_73, %mul3A_72 : i32
    %dma_wait3A_75 = arith.constant 0 : i32
    %dma_wait3A_76 = tpu.memref_slice %arg8[%add3A_74, %dma_wait3A_75] : memref<125x80xi32, #tpu.memory_space<vmem>> -> memref<1x80xi32, #tpu.memory_space<vmem>>
    %dma_wait3A_77 = tpu.memref_squeeze %dma_wait3A_76 : memref<1x80xi32, #tpu.memory_space<vmem>> -> memref<80xi32, #tpu.memory_space<vmem>>
    %dma_wait3A_78 = arith.constant 0 : i32
    %dma_wait3A_79 = arith.constant 0 : i32
    %dma_wait3A_80 = tpu.memref_slice %arg13[%dma_wait3A_78, %dma_wait3A_79] : memref<10240x128xf32, #tpu.memory_space<vmem_shared>> -> memref<10240x128xf32, #tpu.memory_space<vmem_shared>>
    tpu.wait_indirect_dma semaphore(%arg22 : memref<!tpu.dma_semaphore, #tpu.memory_space<semaphore_mem>>) src(%arg12 : memref<80x128xf32, #tpu.memory_space<vmem>>) dst(%dma_wait3A_80 : memref<10240x128xf32, #tpu.memory_space<vmem_shared>>)
    %scan3A_81 = arith.constant 1 : i32
    %scan3A_82 = arith.constant 0 : i32
    %mul3A_83 = arith.constant 1 : i32
    %mul3A_84 = arith.muli %scan3A_82, %mul3A_83 : i32
    %add3A_85 = arith.constant 124 : i32
    %add3A_86 = arith.addi %add3A_85, %mul3A_84 : i32
    %dma_wait3A_87 = arith.constant 0 : i32
    %dma_wait3A_88 = tpu.memref_slice %arg8[%add3A_86, %dma_wait3A_87] : memref<125x80xi32, #tpu.memory_space<vmem>> -> memref<1x80xi32, #tpu.memory_space<vmem>>
    %dma_wait3A_89 = tpu.memref_squeeze %dma_wait3A_88 : memref<1x80xi32, #tpu.memory_space<vmem>> -> memref<80xi32, #tpu.memory_space<vmem>>
    %dma_wait3A_90 = arith.constant 0 : i32
    %dma_wait3A_91 = arith.constant 0 : i32
    %dma_wait3A_92 = tpu.memref_slice %arg13[%dma_wait3A_90, %dma_wait3A_91] : memref<10240x128xf32, #tpu.memory_space<vmem_shared>> -> memref<10240x128xf32, #tpu.memory_space<vmem_shared>>
    tpu.wait_indirect_dma semaphore(%arg21 : memref<!tpu.dma_semaphore, #tpu.memory_space<semaphore_mem>>) src(%arg11 : memref<80x128xf32, #tpu.memory_space<vmem>>) dst(%dma_wait3A_92 : memref<10240x128xf32, #tpu.memory_space<vmem_shared>>)
    %scan3A_93 = arith.constant 1 : i32
    %barrier3A_94 = arith.constant 0 : index
    tpu.barrier barrier_id(%barrier3A_94)
    "tpu.region"() ({
      %run_scoped3A = tpu.sem_alloc : memref<!tpu.dma_semaphore, #tpu.memory_space<semaphore_mem>>
      %dma_start3A_95 = arith.constant 0 : i32
      %dma_start3A_96 = tpu.memref_slice %arg7[%arg0, %mul3A_2, %dma_start3A_95] : memref<2x10240x128xf32, #tpu.memory_space<hbm>> -> memref<1x640x128xf32, #tpu.memory_space<hbm>>
      %dma_start3A_97 = tpu.memref_squeeze %dma_start3A_96 : memref<1x640x128xf32, #tpu.memory_space<hbm>> -> memref<640x128xf32, #tpu.memory_space<hbm>>
      %dma_start3A_98 = arith.constant 0 : i32
      %dma_start3A_99 = tpu.memref_slice %arg13[%mul3A_2, %dma_start3A_98] : memref<10240x128xf32, #tpu.memory_space<vmem_shared>> -> memref<640x128xf32, #tpu.memory_space<vmem_shared>>
      tpu.enqueue_dma source(%dma_start3A_99 : memref<640x128xf32, #tpu.memory_space<vmem_shared>>) target(%dma_start3A_97 : memref<640x128xf32, #tpu.memory_space<hbm>>) target_semaphore(%run_scoped3A : memref<!tpu.dma_semaphore, #tpu.memory_space<semaphore_mem>>)
      %dma_wait3A_100 = arith.constant 0 : i32
      %dma_wait3A_101 = tpu.memref_slice %arg7[%arg0, %mul3A_2, %dma_wait3A_100] : memref<2x10240x128xf32, #tpu.memory_space<hbm>> -> memref<1x640x128xf32, #tpu.memory_space<hbm>>
      %dma_wait3A_102 = tpu.memref_squeeze %dma_wait3A_101 : memref<1x640x128xf32, #tpu.memory_space<hbm>> -> memref<640x128xf32, #tpu.memory_space<hbm>>
      %dma_wait3A_103 = arith.constant 0 : i32
      %dma_wait3A_104 = tpu.memref_slice %arg13[%mul3A_2, %dma_wait3A_103] : memref<10240x128xf32, #tpu.memory_space<vmem_shared>> -> memref<640x128xf32, #tpu.memory_space<vmem_shared>>
      tpu.wait_dma2 semaphore(%run_scoped3A : memref<!tpu.dma_semaphore, #tpu.memory_space<semaphore_mem>>) src(%dma_wait3A_104 : memref<640x128xf32, #tpu.memory_space<vmem_shared>>) dst(%dma_wait3A_102 : memref<640x128xf32, #tpu.memory_space<hbm>>)
      tpu.yield
    }) : () -> ()
    return
  }
}

module attributes {stable_mosaic.version = 14 : i64} {
  func.func @_tc_layer_body(%arg0: i32, %arg1: memref<2x1024x128xf32, #tpu.memory_space<vmem>>, %arg2: memref<2x8x128xf32, #tpu.memory_space<vmem>>, %arg3: memref<1024x128xf32, #tpu.memory_space<vmem>>, %arg4: memref<128x128xf32, #tpu.memory_space<vmem>>, %arg5: memref<128x128xf32, #tpu.memory_space<vmem>>, %arg6: memref<1x128xf32, #tpu.memory_space<vmem>>, %arg7: memref<1024x128xf32, #tpu.memory_space<vmem>>) attributes {dimension_semantics = [#tpu.dimension_semantics<arbitrary>], iteration_bounds = array<i64: 10>, scalar_prefetch = 0 : i64, scratch_operands = 0 : i64, tpu.core_type = #tpu.core_type<tc>, window_params = [{transform_indices = @transform_0, window_bounds = array<i64: 2, 1024, 128>}, {transform_indices = @transform_1, window_bounds = array<i64: 2, 8, 128>}, {transform_indices = @transform_2, window_bounds = array<i64: 1024, 128>}, {pipeline_mode = #tpu.pipeline_mode<synchronous>, transform_indices = @transform_3, window_bounds = array<i64: 128, 128>}, {pipeline_mode = #tpu.pipeline_mode<synchronous>, transform_indices = @transform_4, window_bounds = array<i64: 128, 128>}, {pipeline_mode = #tpu.pipeline_mode<synchronous>, transform_indices = @transform_5, window_bounds = array<i64: 1, 128>}, {transform_indices = @transform_6, window_bounds = array<i64: 1024, 128>}]} {
    %get3A = arith.constant 0 : index
    %get3A_0 = arith.constant 0 : index
    %get3A_1 = arith.constant 0 : index
    %get3A_2 = vector.load %arg1[%get3A, %get3A_0, %get3A_1] : memref<2x1024x128xf32, #tpu.memory_space<vmem>>, vector<1x1024x128xf32>
    %get3A_3 = vector.shape_cast %get3A_2 : vector<1x1024x128xf32> to vector<1024x128xf32>
    %get3A_4 = arith.constant 1 : index
    %get3A_5 = arith.constant 0 : index
    %get3A_6 = arith.constant 0 : index
    %get3A_7 = vector.load %arg1[%get3A_4, %get3A_5, %get3A_6] : memref<2x1024x128xf32, #tpu.memory_space<vmem>>, vector<1x1024x128xf32>
    %get3A_8 = vector.shape_cast %get3A_7 : vector<1x1024x128xf32> to vector<1024x128xf32>
    %add3A = arith.addf %get3A_3, %get3A_8 : vector<1024x128xf32>
    %get3A_9 = arith.constant 0 : index
    %get3A_10 = arith.constant 0 : index
    %get3A_11 = arith.constant 0 : index
    %get3A_12 = vector.load %arg2[%get3A_9, %get3A_10, %get3A_11] : memref<2x8x128xf32, #tpu.memory_space<vmem>>, vector<1x8x128xf32>
    %get3A_13 = vector.shape_cast %get3A_12 : vector<1x8x128xf32> to vector<8x128xf32>
    %get3A_14 = arith.constant 1 : index
    %get3A_15 = arith.constant 0 : index
    %get3A_16 = arith.constant 0 : index
    %get3A_17 = vector.load %arg2[%get3A_14, %get3A_15, %get3A_16] : memref<2x8x128xf32, #tpu.memory_space<vmem>>, vector<1x8x128xf32>
    %get3A_18 = vector.shape_cast %get3A_17 : vector<1x8x128xf32> to vector<8x128xf32>
    %add3A_19 = arith.addf %get3A_13, %get3A_18 : vector<8x128xf32>
    %broadcast_in_dim3A = vector.shape_cast %add3A_19 : vector<8x128xf32> to vector<8x1x128xf32>
    %broadcast_in_dim3A_20 = vector.shape_cast %broadcast_in_dim3A : vector<8x1x128xf32> to vector<8x1x128xf32>
    %broadcast_in_dim3A_21 = vector.broadcast %broadcast_in_dim3A_20 : vector<8x1x128xf32> to vector<8x128x128xf32>
    %reshape3A = vector.shape_cast %broadcast_in_dim3A_21 : vector<8x128x128xf32> to vector<1024x128xf32>
    %iota3A = tpu.iota {dimensions = array<i32: 0>} : vector<1024x128xi32>
    %jit3A = arith.constant 128 : i32
    %eq3A = arith.constant 0 : i32
    %eq3A_22 = arith.cmpi eq, %jit3A, %eq3A : i32
    %jit3A_23 = arith.constant 1 : i32
    %select_n3A = arith.select %eq3A_22, %jit3A_23, %jit3A : i32
    %rem3A = vector.broadcast %select_n3A : i32 to vector<1024x128xi32>
    %rem3A_24 = arith.remsi %iota3A, %rem3A : vector<1024x128xi32>
    %ne3A = arith.constant 0 : i32
    %ne3A_25 = vector.broadcast %ne3A : i32 to vector<1024x128xi32>
    %ne3A_26 = arith.cmpi ne, %rem3A_24, %ne3A_25 : vector<1024x128xi32>
    %lt3A = arith.constant 0 : i32
    %lt3A_27 = vector.broadcast %lt3A : i32 to vector<1024x128xi32>
    %lt3A_28 = arith.cmpi slt, %rem3A_24, %lt3A_27 : vector<1024x128xi32>
    %lt3A_29 = arith.constant 0 : i32
    %lt3A_30 = arith.cmpi slt, %select_n3A, %lt3A_29 : i32
    %ne3A_31 = vector.broadcast %lt3A_30 : i1 to vector<1024x128xi1>
    %ne3A_32 = vector.broadcast %ne3A_31 : vector<1024x128xi1> to vector<1024x128xi1>
    %ne3A_33 = arith.xori %lt3A_28, %ne3A_32 : vector<1024x128xi1>
    %and3A = arith.andi %ne3A_33, %ne3A_26 : vector<1024x128xi1>
    %add3A_34 = vector.broadcast %select_n3A : i32 to vector<1024x128xi32>
    %add3A_35 = arith.addi %rem3A_24, %add3A_34 : vector<1024x128xi32>
    %select_n3A_36 = arith.select %and3A, %add3A_35, %rem3A_24 : vector<1024x128xi1>, vector<1024x128xi32>
    %iota3A_37 = tpu.iota {dimensions = array<i32: 1>} : vector<1024x128xi32>
    %eq3A_38 = arith.cmpi eq, %select_n3A_36, %iota3A_37 : vector<1024x128xi32>
    %jit3A_39 = arith.constant 0.000000e+00 : f32
    %broadcast_in_dim3A_40 = vector.broadcast %jit3A_39 : f32 to vector<1024x128xf32>
    %select_n3A_41 = arith.select %eq3A_38, %reshape3A, %broadcast_in_dim3A_40 : vector<1024x128xi1>, vector<1024x128xf32>
    %reduce_sum3A = arith.constant dense<0.000000e+00> : vector<1024xf32>
    %reduce_sum3A_42 = vector.multi_reduction <add>, %select_n3A_41, %reduce_sum3A [1] : vector<1024x128xf32> to vector<1024xf32>
    %broadcast_in_dim3A_43 = vector.shape_cast %reduce_sum3A_42 : vector<1024xf32> to vector<1024x1xf32>
    %max3A = arith.constant 1.000000e+00 : f32
    %max3A_44 = vector.broadcast %max3A : f32 to vector<1024x1xf32>
    %max3A_45 = arith.maximumf %broadcast_in_dim3A_43, %max3A_44 : vector<1024x1xf32>
    %div3A = vector.broadcast %max3A_45 : vector<1024x1xf32> to vector<1024x128xf32>
    %div3A_46 = arith.divf %add3A, %div3A : vector<1024x128xf32>
    %get3A_47 = arith.constant 0 : index
    %get3A_48 = arith.constant 0 : index
    %get3A_49 = vector.load %arg4[%get3A_47, %get3A_48] : memref<128x128xf32, #tpu.memory_space<vmem>>, vector<128x128xf32>
    %dot_general3A = arith.constant dense<0.000000e+00> : vector<1024x128xf32>
    %dot_general3A_50 = tpu.matmul %div3A_46, %get3A_49, %dot_general3A {dimension_numbers = #tpu.dot_dimension_numbers<[1], [1], [0], [0], [0, 0, 1, 0], [], []>, transpose_lhs_hint = false} : vector<1024x128xf32>, vector<128x128xf32>, vector<1024x128xf32> -> vector<1024x128xf32>
    %get3A_51 = arith.constant 0 : index
    %get3A_52 = arith.constant 0 : index
    %get3A_53 = vector.load %arg3[%get3A_51, %get3A_52] : memref<1024x128xf32, #tpu.memory_space<vmem>>, vector<1024x128xf32>
    %get3A_54 = arith.constant 0 : index
    %get3A_55 = arith.constant 0 : index
    %get3A_56 = vector.load %arg5[%get3A_54, %get3A_55] : memref<128x128xf32, #tpu.memory_space<vmem>>, vector<128x128xf32>
    %dot_general3A_57 = arith.constant dense<0.000000e+00> : vector<1024x128xf32>
    %dot_general3A_58 = tpu.matmul %get3A_53, %get3A_56, %dot_general3A_57 {dimension_numbers = #tpu.dot_dimension_numbers<[1], [1], [0], [0], [0, 0, 1, 0], [], []>, transpose_lhs_hint = false} : vector<1024x128xf32>, vector<128x128xf32>, vector<1024x128xf32> -> vector<1024x128xf32>
    %add3A_59 = arith.addf %dot_general3A_50, %dot_general3A_58 : vector<1024x128xf32>
    %get3A_60 = arith.constant 0 : index
    %get3A_61 = arith.constant 0 : index
    %get3A_62 = vector.load %arg6[%get3A_60, %get3A_61] : memref<1x128xf32, #tpu.memory_space<vmem>>, vector<1x128xf32>
    %add3A_63 = vector.broadcast %get3A_62 : vector<1x128xf32> to vector<1024x128xf32>
    %add3A_64 = arith.addf %add3A_59, %add3A_63 : vector<1024x128xf32>
    %max3A_65 = arith.constant 0.000000e+00 : f32
    %max3A_66 = vector.broadcast %max3A_65 : f32 to vector<1024x128xf32>
    %max3A_67 = arith.maximumf %add3A_64, %max3A_66 : vector<1024x128xf32>
    %swap3A = arith.constant 0 : index
    %swap3A_68 = arith.constant 0 : index
    %swap3A_69 = vector.load %arg7[%swap3A, %swap3A_68] : memref<1024x128xf32, #tpu.memory_space<vmem>>, vector<1024x128xf32>
    tpu.vector_store %arg7[%swap3A, %swap3A_68], %max3A_67 {strides = array<i32>} : memref<1024x128xf32, #tpu.memory_space<vmem>>, vector<1024x128xf32>,
    return
  }
  func.func @transform_0(%arg0: i32) -> (i32, i32, i32) {
    %c0_i32 = arith.constant 0 : i32
    %c0_i32_0 = arith.constant 0 : i32
    %c0_i32_1 = arith.constant 0 : i32
    return %c0_i32, %arg0, %c0_i32_0 : i32, i32, i32
  }
  func.func @transform_1(%arg0: i32) -> (i32, i32, i32) {
    %c0_i32 = arith.constant 0 : i32
    %c0_i32_0 = arith.constant 0 : i32
    %c0_i32_1 = arith.constant 0 : i32
    return %c0_i32, %arg0, %c0_i32_0 : i32, i32, i32
  }
  func.func @transform_2(%arg0: i32) -> (i32, i32) {
    %c0_i32 = arith.constant 0 : i32
    %c0_i32_0 = arith.constant 0 : i32
    return %arg0, %c0_i32 : i32, i32
  }
  func.func @transform_3(%arg0: i32) -> (i32, i32) {
    %c0_i32 = arith.constant 0 : i32
    %c0_i32_0 = arith.constant 0 : i32
    %c0_i32_1 = arith.constant 0 : i32
    return %c0_i32, %c0_i32_0 : i32, i32
  }
  func.func @transform_4(%arg0: i32) -> (i32, i32) {
    %c0_i32 = arith.constant 0 : i32
    %c0_i32_0 = arith.constant 0 : i32
    %c0_i32_1 = arith.constant 0 : i32
    return %c0_i32, %c0_i32_0 : i32, i32
  }
  func.func @transform_5(%arg0: i32) -> (i32, i32) {
    %c0_i32 = arith.constant 0 : i32
    %c0_i32_0 = arith.constant 0 : i32
    %c0_i32_1 = arith.constant 0 : i32
    return %c0_i32, %c0_i32_0 : i32, i32
  }
  func.func @transform_6(%arg0: i32) -> (i32, i32) {
    %c0_i32 = arith.constant 0 : i32
    %c0_i32_0 = arith.constant 0 : i32
    return %arg0, %c0_i32 : i32, i32
  }
}

module attributes {stable_mosaic.version = 14 : i64} {
  func.func @_tc_layer_body(%arg0: i32, %arg1: memref<2x1024x128xf32, #tpu.memory_space<vmem>>, %arg2: memref<2x8x128xf32, #tpu.memory_space<vmem>>, %arg3: memref<1024x128xf32, #tpu.memory_space<vmem>>, %arg4: memref<128x128xf32, #tpu.memory_space<vmem>>, %arg5: memref<128x128xf32, #tpu.memory_space<vmem>>, %arg6: memref<1x128xf32, #tpu.memory_space<vmem>>, %arg7: memref<1024x128xf32, #tpu.memory_space<vmem>>) attributes {dimension_semantics = [#tpu.dimension_semantics<arbitrary>], iteration_bounds = array<i64: 10>, scalar_prefetch = 0 : i64, scratch_operands = 0 : i64, tpu.core_type = #tpu.core_type<tc>, window_params = [{transform_indices = @transform_0, window_bounds = array<i64: 2, 1024, 128>}, {transform_indices = @transform_1, window_bounds = array<i64: 2, 8, 128>}, {transform_indices = @transform_2, window_bounds = array<i64: 1024, 128>}, {pipeline_mode = #tpu.pipeline_mode<synchronous>, transform_indices = @transform_3, window_bounds = array<i64: 128, 128>}, {pipeline_mode = #tpu.pipeline_mode<synchronous>, transform_indices = @transform_4, window_bounds = array<i64: 128, 128>}, {pipeline_mode = #tpu.pipeline_mode<synchronous>, transform_indices = @transform_5, window_bounds = array<i64: 1, 128>}, {transform_indices = @transform_6, window_bounds = array<i64: 1024, 128>}]} {
    %get3A = arith.constant 0 : index
    %get3A_0 = arith.constant 0 : index
    %get3A_1 = arith.constant 0 : index
    %get3A_2 = vector.load %arg1[%get3A, %get3A_0, %get3A_1] : memref<2x1024x128xf32, #tpu.memory_space<vmem>>, vector<1x1024x128xf32>
    %get3A_3 = vector.shape_cast %get3A_2 : vector<1x1024x128xf32> to vector<1024x128xf32>
    %get3A_4 = arith.constant 1 : index
    %get3A_5 = arith.constant 0 : index
    %get3A_6 = arith.constant 0 : index
    %get3A_7 = vector.load %arg1[%get3A_4, %get3A_5, %get3A_6] : memref<2x1024x128xf32, #tpu.memory_space<vmem>>, vector<1x1024x128xf32>
    %get3A_8 = vector.shape_cast %get3A_7 : vector<1x1024x128xf32> to vector<1024x128xf32>
    %add3A = arith.addf %get3A_3, %get3A_8 : vector<1024x128xf32>
    %get3A_9 = arith.constant 0 : index
    %get3A_10 = arith.constant 0 : index
    %get3A_11 = arith.constant 0 : index
    %get3A_12 = vector.load %arg2[%get3A_9, %get3A_10, %get3A_11] : memref<2x8x128xf32, #tpu.memory_space<vmem>>, vector<1x8x128xf32>
    %get3A_13 = vector.shape_cast %get3A_12 : vector<1x8x128xf32> to vector<8x128xf32>
    %get3A_14 = arith.constant 1 : index
    %get3A_15 = arith.constant 0 : index
    %get3A_16 = arith.constant 0 : index
    %get3A_17 = vector.load %arg2[%get3A_14, %get3A_15, %get3A_16] : memref<2x8x128xf32, #tpu.memory_space<vmem>>, vector<1x8x128xf32>
    %get3A_18 = vector.shape_cast %get3A_17 : vector<1x8x128xf32> to vector<8x128xf32>
    %add3A_19 = arith.addf %get3A_13, %get3A_18 : vector<8x128xf32>
    %broadcast_in_dim3A = vector.shape_cast %add3A_19 : vector<8x128xf32> to vector<8x1x128xf32>
    %broadcast_in_dim3A_20 = vector.shape_cast %broadcast_in_dim3A : vector<8x1x128xf32> to vector<8x1x128xf32>
    %broadcast_in_dim3A_21 = vector.broadcast %broadcast_in_dim3A_20 : vector<8x1x128xf32> to vector<8x128x128xf32>
    %reshape3A = vector.shape_cast %broadcast_in_dim3A_21 : vector<8x128x128xf32> to vector<1024x128xf32>
    %iota3A = tpu.iota {dimensions = array<i32: 0>} : vector<1024x128xi32>
    %jit3A = arith.constant 128 : i32
    %eq3A = arith.constant 0 : i32
    %eq3A_22 = arith.cmpi eq, %jit3A, %eq3A : i32
    %jit3A_23 = arith.constant 1 : i32
    %select_n3A = arith.select %eq3A_22, %jit3A_23, %jit3A : i32
    %rem3A = vector.broadcast %select_n3A : i32 to vector<1024x128xi32>
    %rem3A_24 = arith.remsi %iota3A, %rem3A : vector<1024x128xi32>
    %ne3A = arith.constant 0 : i32
    %ne3A_25 = vector.broadcast %ne3A : i32 to vector<1024x128xi32>
    %ne3A_26 = arith.cmpi ne, %rem3A_24, %ne3A_25 : vector<1024x128xi32>
    %lt3A = arith.constant 0 : i32
    %lt3A_27 = vector.broadcast %lt3A : i32 to vector<1024x128xi32>
    %lt3A_28 = arith.cmpi slt, %rem3A_24, %lt3A_27 : vector<1024x128xi32>
    %lt3A_29 = arith.constant 0 : i32
    %lt3A_30 = arith.cmpi slt, %select_n3A, %lt3A_29 : i32
    %ne3A_31 = vector.broadcast %lt3A_30 : i1 to vector<1024x128xi1>
    %ne3A_32 = vector.broadcast %ne3A_31 : vector<1024x128xi1> to vector<1024x128xi1>
    %ne3A_33 = arith.xori %lt3A_28, %ne3A_32 : vector<1024x128xi1>
    %and3A = arith.andi %ne3A_33, %ne3A_26 : vector<1024x128xi1>
    %add3A_34 = vector.broadcast %select_n3A : i32 to vector<1024x128xi32>
    %add3A_35 = arith.addi %rem3A_24, %add3A_34 : vector<1024x128xi32>
    %select_n3A_36 = arith.select %and3A, %add3A_35, %rem3A_24 : vector<1024x128xi1>, vector<1024x128xi32>
    %iota3A_37 = tpu.iota {dimensions = array<i32: 1>} : vector<1024x128xi32>
    %eq3A_38 = arith.cmpi eq, %select_n3A_36, %iota3A_37 : vector<1024x128xi32>
    %jit3A_39 = arith.constant 0.000000e+00 : f32
    %broadcast_in_dim3A_40 = vector.broadcast %jit3A_39 : f32 to vector<1024x128xf32>
    %select_n3A_41 = arith.select %eq3A_38, %reshape3A, %broadcast_in_dim3A_40 : vector<1024x128xi1>, vector<1024x128xf32>
    %reduce_sum3A = arith.constant dense<0.000000e+00> : vector<1024xf32>
    %reduce_sum3A_42 = vector.multi_reduction <add>, %select_n3A_41, %reduce_sum3A [1] : vector<1024x128xf32> to vector<1024xf32>
    %broadcast_in_dim3A_43 = vector.shape_cast %reduce_sum3A_42 : vector<1024xf32> to vector<1024x1xf32>
    %max3A = arith.constant 1.000000e+00 : f32
    %max3A_44 = vector.broadcast %max3A : f32 to vector<1024x1xf32>
    %max3A_45 = arith.maximumf %broadcast_in_dim3A_43, %max3A_44 : vector<1024x1xf32>
    %div3A = vector.broadcast %max3A_45 : vector<1024x1xf32> to vector<1024x128xf32>
    %div3A_46 = arith.divf %add3A, %div3A : vector<1024x128xf32>
    %get3A_47 = arith.constant 0 : index
    %get3A_48 = arith.constant 0 : index
    %get3A_49 = vector.load %arg4[%get3A_47, %get3A_48] : memref<128x128xf32, #tpu.memory_space<vmem>>, vector<128x128xf32>
    %dot_general3A = arith.constant dense<0.000000e+00> : vector<1024x128xf32>
    %dot_general3A_50 = tpu.matmul %div3A_46, %get3A_49, %dot_general3A {dimension_numbers = #tpu.dot_dimension_numbers<[1], [1], [0], [0], [0, 0, 1, 0], [], []>, transpose_lhs_hint = false} : vector<1024x128xf32>, vector<128x128xf32>, vector<1024x128xf32> -> vector<1024x128xf32>
    %get3A_51 = arith.constant 0 : index
    %get3A_52 = arith.constant 0 : index
    %get3A_53 = vector.load %arg3[%get3A_51, %get3A_52] : memref<1024x128xf32, #tpu.memory_space<vmem>>, vector<1024x128xf32>
    %get3A_54 = arith.constant 0 : index
    %get3A_55 = arith.constant 0 : index
    %get3A_56 = vector.load %arg5[%get3A_54, %get3A_55] : memref<128x128xf32, #tpu.memory_space<vmem>>, vector<128x128xf32>
    %dot_general3A_57 = arith.constant dense<0.000000e+00> : vector<1024x128xf32>
    %dot_general3A_58 = tpu.matmul %get3A_53, %get3A_56, %dot_general3A_57 {dimension_numbers = #tpu.dot_dimension_numbers<[1], [1], [0], [0], [0, 0, 1, 0], [], []>, transpose_lhs_hint = false} : vector<1024x128xf32>, vector<128x128xf32>, vector<1024x128xf32> -> vector<1024x128xf32>
    %add3A_59 = arith.addf %dot_general3A_50, %dot_general3A_58 : vector<1024x128xf32>
    %get3A_60 = arith.constant 0 : index
    %get3A_61 = arith.constant 0 : index
    %get3A_62 = vector.load %arg6[%get3A_60, %get3A_61] : memref<1x128xf32, #tpu.memory_space<vmem>>, vector<1x128xf32>
    %add3A_63 = vector.broadcast %get3A_62 : vector<1x128xf32> to vector<1024x128xf32>
    %add3A_64 = arith.addf %add3A_59, %add3A_63 : vector<1024x128xf32>
    %swap3A = arith.constant 0 : index
    %swap3A_65 = arith.constant 0 : index
    %swap3A_66 = vector.load %arg7[%swap3A, %swap3A_65] : memref<1024x128xf32, #tpu.memory_space<vmem>>, vector<1024x128xf32>
    tpu.vector_store %arg7[%swap3A, %swap3A_65], %add3A_64 {strides = array<i32>} : memref<1024x128xf32, #tpu.memory_space<vmem>>, vector<1024x128xf32>,
    return
  }
  func.func @transform_0(%arg0: i32) -> (i32, i32, i32) {
    %c0_i32 = arith.constant 0 : i32
    %c0_i32_0 = arith.constant 0 : i32
    %c0_i32_1 = arith.constant 0 : i32
    return %c0_i32, %arg0, %c0_i32_0 : i32, i32, i32
  }
  func.func @transform_1(%arg0: i32) -> (i32, i32, i32) {
    %c0_i32 = arith.constant 0 : i32
    %c0_i32_0 = arith.constant 0 : i32
    %c0_i32_1 = arith.constant 0 : i32
    return %c0_i32, %arg0, %c0_i32_0 : i32, i32, i32
  }
  func.func @transform_2(%arg0: i32) -> (i32, i32) {
    %c0_i32 = arith.constant 0 : i32
    %c0_i32_0 = arith.constant 0 : i32
    return %arg0, %c0_i32 : i32, i32
  }
  func.func @transform_3(%arg0: i32) -> (i32, i32) {
    %c0_i32 = arith.constant 0 : i32
    %c0_i32_0 = arith.constant 0 : i32
    %c0_i32_1 = arith.constant 0 : i32
    return %c0_i32, %c0_i32_0 : i32, i32
  }
  func.func @transform_4(%arg0: i32) -> (i32, i32) {
    %c0_i32 = arith.constant 0 : i32
    %c0_i32_0 = arith.constant 0 : i32
    %c0_i32_1 = arith.constant 0 : i32
    return %c0_i32, %c0_i32_0 : i32, i32
  }
  func.func @transform_5(%arg0: i32) -> (i32, i32) {
    %c0_i32 = arith.constant 0 : i32
    %c0_i32_0 = arith.constant 0 : i32
    %c0_i32_1 = arith.constant 0 : i32
    return %c0_i32, %c0_i32_0 : i32, i32
  }
  func.func @transform_6(%arg0: i32) -> (i32, i32) {
    %c0_i32 = arith.constant 0 : i32
    %c0_i32_0 = arith.constant 0 : i32
    return %arg0, %c0_i32 : i32, i32
  }
}

</mosaic_0001>

<sc_bundles>
// kernel: kernel.6.cloned.1.call-start
scs
__scs_entry_jumppad:
0x0: {  	(pc) =	sbr.rel $0x88, $3  }
0x1: {  	(tag) =	ssettag $0x0;
	lr =	simm.s32 $0x1  }
0x2: {  	[smem:$0x3F99] =	sst lr;
	_ =	strace $0xD0000000  }
0x3: {  	_ = 	snop  }
0x4: {  	_ = 	snop  }
0x5: {  	_ = 	snop  }
0x6: {  	_ = 	snop  }
0x7: {  	_ = 	snop  }
__scs_overlays_trampoline_lowered:
0x8: {  	[smem:$0x3FA8] =	sst s0  }
0x9: {  	[smem:$0x3FA9] =	sst s1  }
0xa: {  	[smem:$0x3FAA] =	sst s2  }
0xb: {  	[smem:$0x3FAB] =	sst s3  }
0xc: {  	[smem:$0x3FAC] =	sst s4  }
0xd: {  	[smem:$0x3FAD] =	sst s5  }
0xe: {  	[smem:$0x3FAE] =	sst s6  }
0xf: {  	[smem:$0x3FAF] =	sst s7  }
0x10: {  	[smem:$0x3FB0] =	sst s8  }
0x11: {  	[smem:$0x3FB1] =	sst s9;
	s0 =	simm.s32 @!p0 $0x0  }
0x12: {  	s1 =	sld [smem:$0x3F97];
	s0 =	simm.s32 @p0 $0x1  }
0x13: {  	[smem:$0x3FB2] =	sst s0;
	s0 =	simm.s32 @!p1 $0x0  }
0x14: {  	s2 =	sld [smem:$0x3F96];
	s0 =	simm.s32 @p1 $0x1  }
0x15: {  	[smem:$0x3FB3] =	sst s0;
	s0 =	simm.s32 @!p2 $0x0  }
0x16: {  	s3 =	sld [smem:$0x3FDB];
	s0 =	simm.s32 @p2 $0x1  }
0x17: {  	s4 =	simm.s32 $0x1BF5;
	[smem:$0x3FB5] =	sst s0  }
0x18: {  	s0 =	sld [smem:$0x3F98];
	_ =	swait.ge [sflag:s4], $0x0  }
0x19: {  	s7 =	sld [smem:$0x3F99]  }
0x1a: {  	s8 =	sadd.s32 $0xFFFFE003, lr  }
0x1b: {  	s9 =	sadd.s32 $0xFFFFFEF7, lr;
	s5 =	simm.s32 $0xFFFFFFFF;
	p2 =	slt.u32 s8, $0xFFFFF086  }
0x1c: {  	p1 =	slt.u32 s9, $0xF7A;
	s5 =	simm.s32 @!p2 $0x0  }
0x1d: {  	s5 =	simm.s32 @p1 $0x1;
	p0 =	seq.s32 s7, s2  }
0x1e: {  	s7 =	smul.u32 @!p0 $0xF7A, s2;
	p2 =	seq.s32 @!p0 s5, $0x0  }
0x1f: {  	s9 =	smul.u32 $0xF7A, s1;
	s8 =	simm.s32 @!p0 $0x1BF5;
	p2 =	por !p2, p0  }
0x20: {  	[sflag:s8] =	ssyncset.s32 @!p0 $0xFFFFF086;
	s6 =	sadd.s32 @!p0 s3, s7;
	s7 =	simm.s32 @!p0 $0x108  }
0x21: {  	s3 =	sadd.s32 s3, s9;
	s6 =	sadd.s32 @!p0 $0x88, s6;
	s7 =	simm.s32 @p2 $0x1082  }
0x22: {  	[simem:s7], [sflag:s8] =	dma.local @!p0 [hbm:s6], $0xF7A  }
0x23: {  	s9 =	sor.u32 $0xD0000000, s2;
	s6 =	simm.s32 $0x108;
	_ =	swait.ge @!p0 [sflag:s8], $0x0  }
0x24: {  	s3 =	sadd.s32 $0x88, s3;
	s6 =	simm.s32 @!p1 $0x1082;
	[sflag:s4] =	ssyncset.s32 $0xFFFFF086  }
0x25: {  	[simem:s6], [sflag:s4] =	dma.local [hbm:s3], $0xF7A  }
0x26: {  	[smem:$0x3F99] =	sst s1;
	(tag) =	ssettag s2;
	_ =	strace s9  }
0x27: {  	s1 =	sld [smem:$0x3FA9]  }
0x28: {  	s2 =	sld [smem:$0x3FAA]  }
0x29: {  	s4 =	sld [smem:$0x3FAC]  }
0x2a: {  	p0 =	seq.s32 s5, $0x0;
	s5 =	sld [smem:$0x3FAD]  }
0x2b: {  	s6 =	sld [smem:$0x3FAE]  }
0x2c: {  	s7 =	sld [smem:$0x3FAF]  }
0x2d: {  	s3 =	simm.s32 $0x108;
	s8 =	sld [smem:$0x3FB0]  }
0x2e: {  	s3 =	simm.s32 @!p0 $0x1082;
	s9 =	sld [smem:$0x3FB1]  }
0x2f: {  	lr =	sadd.s32 s0, s3;
	s0 =	sld [smem:$0x3FA8]  }
0x30: {  	s3 =	sld [smem:$0x3FAB]  }
0x31: {  	[smem:$0x3FB4] =	sst s10  }
0x32: {  	s10 =	sld [smem:$0x3FB2];
	_ =	sdelay $0x3  }
0x33: {  	p0 =	seq.s32 s10, $0x1;
	s10 =	sld [smem:$0x3FB4];
	_ =	sdelay $0x3  }
0x34: {  	[smem:$0x3FB4] =	sst s10  }
0x35: {  	s10 =	sld [smem:$0x3FB3];
	_ =	sdelay $0x3  }
0x36: {  	p1 =	seq.s32 s10, $0x1;
	s10 =	sld [smem:$0x3FB4];
	_ =	sdelay $0x3  }
0x37: {  	[smem:$0x3FB4] =	sst s10  }
0x38: {  	s10 =	sld [smem:$0x3FB5]  }
0x39: {  	_ = 	snop;
	(pc) =	sbr.ind lr, $3  }
0x3a: {  	_ = 	snop  }
0x3b: {  	_ = 	snop  }
0x3c: {  	p2 =	seq.s32 s10, $0x1;
	s10 =	sld [smem:$0x3FB4]  }
0x3d: {  	_ =	shalt  }
0x3e: {  	_ =	shalt  }
0x3f: {  	_ =	shalt  }
0x40: {  	_ =	shalt  }
0x41: {  	_ =	shalt  }
0x42: {  	_ =	shalt  }
0x43: {  	_ =	shalt  }
0x44: {  	_ =	shalt  }
0x45: {  	_ =	shalt  }
0x46: {  	_ =	shalt  }
0x47: {  	_ =	shalt  }
0x48: {  	_ =	shalt  }
0x49: {  	_ =	shalt  }
0x4a: {  	_ =	shalt  }
0x4b: {  	_ =	shalt  }
0x4c: {  	_ =	shalt  }
0x4d: {  	_ =	shalt  }
0x4e: {  	_ =	shalt  }
0x4f: {  	_ =	shalt  }
0x50: {  	_ =	shalt  }
0x51: {  	_ =	shalt  }
0x52: {  	_ =	shalt  }
0x53: {  	_ =	shalt  }
0x54: {  	_ =	shalt  }
0x55: {  	_ =	shalt  }
0x56: {  	_ =	shalt  }
0x57: {  	_ =	shalt  }
0x58: {  	_ =	shalt  }
0x59: {  	_ =	shalt  }
0x5a: {  	_ =	shalt  }
0x5b: {  	_ =	shalt  }
0x5c: {  	_ =	shalt  }
0x5d: {  	_ =	shalt  }
0x5e: {  	_ =	shalt  }
0x5f: {  	_ =	shalt  }
0x60: {  	_ =	shalt  }
0x61: {  	_ =	shalt  }
0x62: {  	_ =	shalt  }
0x63: {  	_ =	shalt  }
0x64: {  	_ =	shalt  }
0x65: {  	_ =	shalt  }
0x66: {  	_ =	shalt  }
0x67: {  	_ =	shalt  }
0x68: {  	_ =	shalt  }
0x69: {  	_ =	shalt  }
0x6a: {  	_ =	shalt  }
0x6b: {  	_ =	shalt  }
0x6c: {  	_ =	shalt  }
0x6d: {  	_ =	shalt  }
0x6e: {  	_ =	shalt  }
0x6f: {  	_ =	shalt  }
0x70: {  	_ =	shalt  }
0x71: {  	_ =	shalt  }
0x72: {  	_ =	shalt  }
0x73: {  	_ =	shalt  }
0x74: {  	_ =	shalt  }
0x75: {  	_ =	shalt  }
0x76: {  	_ =	shalt  }
0x77: {  	_ =	shalt  }
0x78: {  	_ =	shalt  }
0x79: {  	_ =	shalt  }
0x7a: {  	_ =	shalt  }
0x7b: {  	_ =	shalt  }
0x7c: {  	_ =	shalt  }
0x7d: {  	_ =	shalt  }
0x7e: {  	_ =	shalt  }
0x7f: {  	_ =	shalt  }
0x80: {  	_ =	shalt  }
0x81: {  	_ =	shalt  }
0x82: {  	_ =	shalt  }
0x83: {  	_ =	shalt  }
0x84: {  	_ =	shalt  }
0x85: {  	_ =	shalt  }
0x86: {  	_ =	shalt  }
0x87: {  	_ =	shalt  }
.Lfunc_end0:
.L_simem_size_0:
called_computation_lowered:
.L_overlay_start_0:
0x88: {  	s2 =	sld [smem:$0x3FD9]  }
0x89: {  	s3 =	sld [smem:$0x3FFE];
	_ =	sdelay $0x1  }
0x8a: {  	s1 =	srdreg.scid  }
0x8b: {  	s0 =	sand.u32 $0x1, s1  }
0x8c: {  	s17 =	sshll.u32 s0, $0xA;
	s2 =	sadd.s32 s3, s2  }
0x8d: {  	s2 =	sadd.s32 s2, s17  }
0x8e: {  	[smem:$0x3FC0] =	sst s2  }
0x8f: {  	_ = 	snop  }
0x90: {  	s2 =	sld [smem:$0x3FC9];
	(tm) =	ssettm $0x1  }
0x91: {  	s18 =	sld [smem:$0x3FFB];
	_ =	sdelay $0x3  }
0x92: {  	_ =	strace s18  }
0x93: {  	s3 =	sld [smem:$0x3FFC];
	_ =	sdelay $0x3  }
0x94: {  	_ =	strace s3  }
0x95: {  	s3 =	sld [smem:$0x3FFD];
	_ =	sdelay $0x3  }
0x96: {  	_ =	strace s3  }
0x97: {  	_ =	strace $0x8FFFFFFF  }
0x98: {  	s19 =	sld [smem:$0x3FDB];
	_ =	sdelay $0x1  }
0x99: {  	s4 =	simm.s32 $_scs_section_size  }
0x9a: {  	s5 =	simm.s32 $_size__tile_overlayer_lowered;
	s6 =	simm.s32 $_tile_overlayer_lowered  }
0x9b: {  	s22 =	simm.s32 $0x1BFF;
	s21 =	sshll.u32 s6, $0x1;
	s3 =	sadd.s32 s4, s19  }
0x9c: {  	s7 =	simm.s32 $0x0;
	s20 =	sshll.u32 s5, $0x1;
	s5 =	sadd.s32 s21, s3  }
0x9d: {  	[timem:s7], [sflag:s22] =	dma.local [hbm:s5], s20  }
0x9e: {  	_ =	swait.ge [sflag:s22], s20  }
0x9f: {  	s4 =	ssub.s32 $0x0, s20;
	[sflag:s22] =	ssyncset.done $0x0  }
0xa0: {  	[sflag:s22] =	ssyncadd.s32 s4;
	_ =	sdelay $0x1  }
0xa1: {  	s23 =	simm.s32 $0x1B8B  }
0xa2: {  	_ =	swait.ge [sflag:s23], $0x1  }
0xa3: {  	[sflag:s23] =	ssyncset.done $0x0  }
0xa4: {  	s25 =	simm.s32 $0x1B8E;
	s24 =	sld [smem:$0x3FFE];
	[sflag:s23] =	ssyncadd.s32 $0xFFFFFFFF  }
0xa5: {  	s26 =	simm.s32 $execute0_lowered;
	[smem:$0x3FD2] =	sst s25  }
0xa6: {  	s5 =	sshll.u32 s26, $0x1;
	_ =	strace $0x80000046;
	[dreg:$0x1] =	wrdreg $0xFFFFFFFF  }
0xa7: {  	s28 =	simm.s32 $_size_execute0_lowered;
	s3 =	sadd.s32 s3, s5;
	[dreg:$0x0] =	wrdreg $0x0  }
0xa8: {  	s5 =	sshll.u32 s28, $0x1;
	[dreg:$0x2] =	wrdreg s3  }
0xa9: {  	[dreg:$0x3] =	wrdreg s5  }
0xaa: {  	[dreg:$0x4] =	wrdreg $0xC0  }
0xab: {  	_ =	task [dreg:s7], $0x5FFFF  }
0xac: {  	[dreg:$0x1] =	wrdreg $0xFFFFFFFF  }
0xad: {  	[dreg:$0x0] =	wrdreg $0x60  }
0xae: {  	[dreg:$0x2] =	wrdreg s2  }
0xaf: {  	[dreg:$0x3] =	wrdreg s24  }
0xb0: {  	[dreg:$0x4] =	wrdreg $0x91000  }
0xb1: {  	[dreg:$0x5] =	wrdreg $0x1F9800  }
0xb2: {  	[dreg:$0x6] =	wrdreg $0x9  }
0xb3: {  	_ =	task.clear_ibuf [dreg:s7], $0x7FFFF;
	_ =	strace $0x90000046  }
0xb4: {  	s29 =	simm.s32 $0x9;
	_ =	strace $0x80000048  }
0xb5: {  	_ =	swait.ge [sflag:s29], $0x1  }
0xb6: {  	[sflag:s29] =	ssyncadd.s32 $0xFFFFFFFF  }
0xb7: {  	_ =	strace $0x90000048  }
0xb8: {  	_ =	sfence  }
0xb9: {  	s30 =	sld [smem:$0x0];
	_ =	sdelay $0x2  }
0xba: {  	s31 =	sshll.u32 s1, $0xD;
	s1 =	sshrl.u32 s1, $0x2  }
0xbb: {  	s3 =	sand.u32 $0x4000, s31;
	s1 =	sadd.s32 s1, s30  }
0xbc: {  	s0 =	sor.u32 s3, s0;
	s1 =	sshll.u32 s1, $0x11  }
0xbd: {  	s0 =	sor.u32 s1, s0  }
0xbe: {  	s0 =	sadd.s32 $0x8F2B, s0  }
0xbf: {  	[sflag:s0] =	ssyncadd.remote.s32 $0x1  }
0xc0: {  	_ =	sfence.sel $0xFFFF  }
0xc1: {  	[dreg:$0x0] =	wrdreg $0xFFFFFFFF;
	(pc) =	sbr.abs _section_cstart, $3  }
0xc2: {  	[dreg:$0x1] =	wrdreg $0xFFFFFFFF  }
0xc3: {  	_ =	task.clear_ibuf [dreg:s7], $0x2FFFF;
	_ =	strace $0x9FFFFFFF  }
0xc4: {  	(tm) =	ssettm $0x7FFFFFFF  }
0xc5: {  	_ =	shalt  }
tec
execute0_lowered:
.L_overlay_start_1:
0x0: {  	(tag) =	ssettag $0x1  }
0x1: {  	s1 =	rddreg [dreg:$0x0]  }
0x2: {  	s0 =	rddreg [dreg:$0x1]  }
0x3: {  	s2 =	rddreg [dreg:$0x2]  }
0x4: {  	s21 =	rddreg [dreg:$0x3];
	s3 =	srdreg.scid  }
0x5: {  	s6 =	stileid.u32;
	s4 =	simm.s32 $0x0;
	s28 =	simm.s32 $0x50  }
0x6: {  	s29 =	simm.s32 $0x4100;
	s30 =	simm.s32 $0x3;
	s31 =	simm.s32 $0x2  }
0x7: {  	s3 =	sand.u32 $0x1, s3;
	s5 =	sshll.u32 s6, $0x1;
	[smem:$0x7FF] =	sst s4  }
0x8: {  	s8 =	smul.u32 $0x14000, s6;
	s10 =	sadd.s32 $0x12400, s0;
	s12 =	sadd.s32 $0x21E00, s0  }
0x9: {  	s14 =	smul.u32 $0x50000, s6;
	s18 =	sshll.u32 s6, $0x6;
	p0 =	sne.s32 s6, $0x0  }
0xa: {  	s7 =	sor.u32 s3, s5;
	_ =	strace $0x80000047;
	s9 =	smul.u32 $0x140000, s3  }
0xb: {  	[dreg:$0x5] =	wrdreg s12;
	s26 =	smul.u32 $0x500, s3;
	s13 =	ssub.s32 $0x2, s3  }
0xc: {  	s3 =	smul.u32 $0x3E80, s3;
	s5 =	sshll.u32 s7, $0xB;
	s16 =	sshrl.u32 s13, $0x1  }
0xd: {  	s17 =	sshrl.u32 s14, $0x2;
	s7 =	smul.u32 $0x3E80, s7;
	s11 =	sadd.s32 s5, s0  }
0xe: {  	s5 =	sadd.s32 $0x22000, s0;
	s9 =	sadd.s32 s8, s9;
	s8 =	sshrl.u32 s8, $0x3  }
0xf: {  	s13 =	ssub.s32 s13, s16;
	s12 =	sadd.s32 s17, s2;
	s16 =	smul.u32 $0x7D00, s6  }
0x10: {  	s6 =	simm.s32 $0x5;
	s9 =	sshrl.u32 s9, $0x3;
	s8 =	sadd.s32 s5, s8  }
0x11: {  	s7 =	sshrl.u32 s7, $0x3;
	s19 =	sadd.s32 $0x2400, s11;
	s23 =	smax.u32 s13, $0x1  }
0x12: {  	s15 =	sadd.s32 s9, s0;
	s0 =	sadd.s32 s26, s0;
	[dreg:$0x6] =	wrdreg s8  }
0x13: {  	s8 =	sor.u32 $0x1C07, s18;
	s9 =	sadd.s32 s10, s7;
	[dreg:$0x7] =	wrdreg s19  }
0x14: {  	[dreg:$0xb] =	wrdreg s23;
	s24 =	sadd.s32 s3, s16;
	s20 =	sadd.s32 $0x10, s9  }
0x15: {  	s23 =	simm.s32 $0x1F900;
	s22 =	sadd.s32 $0x4A000, s15;
	[dreg:$0x8] =	wrdreg s20  }
0x16: {  	s7 =	simm.s32 $0x6;
	s0 =	sadd.s32 $0x9A000, s0;
	[dreg:$0x9] =	wrdreg s22  }
0x17: {  	s25 =	sadd.s32 $0x20, s9;
	s26 =	sadd.s32 $0x280, s24;
	[dreg:$0xa] =	wrdreg s0  }
0x18: {  	s16 =	sadd.s32 $0x30, s9;
	s17 =	sadd.s32 $0x7C0, s9;
	[dreg:$0xc] =	wrdreg s25  }
0x19: {  	s0 =	sadd.s32 $0x200, s24;
	s3 =	sshrl.u32 s26, $0x3;
	s20 =	sshrl.u32 s12, $0x3  }
0x1a: {  	s12 =	smov.u32 s21;
	s21 =	simm.s32 $0x7;
	s22 =	simm.s32 $0x1D100  }
0x1b: {  	s24 =	simm.s32 $0x4000;
	s25 =	simm.s32 $0x4080;
	s26 =	simm.s32 $0x1  }
0x1c: {  	s0 =	sshrl.u32 s0, $0x3;
	s18 =	sadd.s32 s3, s10;
	s3 =	simm.s32 $0x4  }
0x1d: {  	v0 =	vimm.f32 $1.000000000e+00;
	s19 =	sadd.s32 s0, s10;
	s0 =	simm.s32 $0x6900;
	s10 =	simm.s32 $0x0  }
.LBB2_1:
0x1e: {  	s11 =	rddreg [dreg:$0x6]  }
0x1f: {  	[spmem:s20], [sflag:s8] =	dma.local [hbm:s11], $0x2800  }
0x20: {  	_ =	swait.ge [sflag:s21], $0x2800  }
0x21: {  	[sflag:s21] =	ssyncset.done $0x0  }
0x22: {  	s15 =	rddreg [dreg:$0x7];
	[sflag:s21] =	ssyncadd.s32 $0xFFFFD800  }
0x23: {  	[tilespmem:s4], [sflag:$0x7] =	stream.linear.gather [hbm4b:s15+s4], $0x3E80, $0x38;
	[tilespmem:$0x1FC00] =	vst v63  }
0x24: {  	_ =	swait.ge [sflag:s21], $0x3E80  }
0x25: {  	[sflag:s21] =	ssyncset.done $0x0  }
0x26: {  	[sflag:s21] =	ssyncadd.s32 $0xFFFFC180  }
0x27: {  	[tilespmem:s22], [sflag:$0x7] =	stream.linear.gather [hbm4b:s5+s4], $0x2800, $0x38;
	[tilespmem:$0x1FC00] =	vst v63  }
0x28: {  	_ =	swait.ge [sflag:s21], $0x2800  }
0x29: {  	[sflag:s21] =	ssyncset.done $0x0  }
0x2a: {  	s13 =	rddreg [dreg:$0x5];
	[sflag:s21] =	ssyncadd.s32 $0xFFFFD800  }
0x2b: {  	[tilespmem:s23], [sflag:$0x7] =	stream.linear.gather [hbm4b:s13+s4], $0x80, $0x38;
	[tilespmem:$0x1FC00] =	vst v63  }
0x2c: {  	_ =	swait.ge [sflag:s21], $0x80  }
0x2d: {  	s11 =	sshrl.u32 @!p0 s12, $0x3;
	[sflag:s21] =	ssyncset.done $0x0  }
0x2e: {  	s15 =	smov.u32 s12;
	s12 =	simm.s32 @!p0 $0x7;
	[sflag:s21] =	ssyncadd.s32 $0xFFFFFF80  }
0x2f: {  	[spmem:s11], [sflag:s8] =	dma.local @!p0 [hbm:s5], $0x500  }
0x30: {  	_ =	swait.ge @!p0 [sflag:s12], $0x500  }
0x31: {  	[sflag:s12] =	ssyncset.done @!p0 $0x0  }
0x32: {  	[sflag:s12] =	ssyncadd.s32 @!p0 $0xFFFFFB00  }
0x33: {  	[bflag:$0x0] =	sbarrier.arrive $0xFFFF  }
0x34: {  	[tilespmem:s24], [sflag:$0x1] =	stream.linear.gather [hbm4b:s9+s4], $0x80, $0x38;
	[tilespmem:$0x1FC00] =	vst v63  }
0x35: {  	s14 =	rddreg [dreg:$0x8]  }
0x36: {  	[tilespmem:s25], [sflag:$0x2] =	stream.linear.gather [hbm4b:s14+s4], $0x80, $0x38;
	[tilespmem:$0x1FC00] =	vst v63  }
0x37: {  	_ =	swait.ge [sflag:s26], $0x80  }
0x38: {  	[sflag:s26] =	ssyncset.done $0x0  }
0x39: {  	[sflag:s26] =	ssyncadd.s32 $0xFFFFFF80  }
0x3a: {  	[tilespmem:s29], [sflag:$0x3] =	stream.indirect.gather [hbm4b:s1+s28], $0x80, s24, s28, $0xb8;
	[tilespmem:$0x1FC00] =	vst v63  }
0x3b: {  	_ =	swait.ge [sflag:s30], $0x2800  }
0x3c: {  	[sflag:s30] =	ssyncset.done $0x0  }
0x3d: {  	[sflag:s30] =	ssyncadd.s32 $0xFFFFD800  }
0x3e: {  	[spmem:s2] =	stream.indirect.scatter.add.f32 [tilespmem:s29], [sflag:$0x5], $0x80, s4, s28, $0xb8;
	[tilespmem:$0x1FC00] =	vst v63  }
0x3f: {  	s13 =	rddreg [dreg:$0xc]  }
0x40: {  	[tilespmem:s24], [sflag:$0x1] =	stream.linear.gather [hbm4b:s13+s4], $0x80, $0x38;
	[tilespmem:$0x1FC00] =	vst v63  }
0x41: {  	v1 =	vld [tilespmem:$0x0];
	_ =	sdelay $0x7  }
0x42: {  	[tilespmem:v1+s22+$0x0] =	vst.idx.add.f32.msk $0xffff, v0  }
0x43: {  	v1 =	vld [tilespmem:$0x10];
	_ =	sdelay $0x7  }
0x44: {  	[tilespmem:v1+s22+$0x0] =	vst.idx.add.f32.msk $0xffff, v0  }
0x45: {  	v1 =	vld [tilespmem:$0x20];
	_ =	sdelay $0x7  }
0x46: {  	[tilespmem:v1+s22+$0x0] =	vst.idx.add.f32.msk $0xffff, v0  }
0x47: {  	v1 =	vld [tilespmem:$0x30];
	_ =	sdelay $0x7  }
0x48: {  	[tilespmem:v1+s22+$0x0] =	vst.idx.add.f32.msk $0xffff, v0  }
0x49: {  	v1 =	vld [tilespmem:$0x40];
	_ =	sdelay $0x7  }
0x4a: {  	[tilespmem:v1+s22+$0x0] =	vst.idx.add.f32.msk $0xffff, v0  }
0x4b: {  	_ =	swait.ge [sflag:s31], $0x80  }
0x4c: {  	[sflag:s31] =	ssyncset.done $0x0  }
0x4d: {  	[sflag:s31] =	ssyncadd.s32 $0xFFFFFF80  }
0x4e: {  	[tilespmem:s0], [sflag:$0x4] =	stream.indirect.gather [hbm4b:s1+s28], $0x80, s25, s28, $0xb8;
	[tilespmem:$0x1FC00] =	vst v63  }
0x4f: {  	_ =	swait.ge [sflag:s3], $0x2800  }
0x50: {  	[sflag:s3] =	ssyncset.done $0x0  }
0x51: {  	s14 =	simm.s32 $0x80;
	[sflag:s3] =	ssyncadd.s32 $0xFFFFD800  }
0x52: {  	[spmem:s2] =	stream.indirect.scatter.add.f32 [tilespmem:s0], [sflag:$0x6], $0x80, s14, s28, $0xb8;
	[tilespmem:$0x1FC00] =	vst v63  }
0x53: {  	_ = 	snop  }
0x54: {  	[tilespmem:s25], [sflag:$0x2] =	stream.linear.gather [hbm4b:s16+s4], $0x80, $0x38;
	[tilespmem:$0x1FC00] =	vst v63  }
0x55: {  	v1 =	vld [tilespmem:$0x80];
	_ =	sdelay $0x7  }
0x56: {  	[tilespmem:v1+s22+$0x0] =	vst.idx.add.f32.msk $0xffff, v0  }
0x57: {  	v1 =	vld [tilespmem:$0x90];
	_ =	sdelay $0x7  }
0x58: {  	[tilespmem:v1+s22+$0x0] =	vst.idx.add.f32.msk $0xffff, v0  }
0x59: {  	v1 =	vld [tilespmem:$0xA0];
	_ =	sdelay $0x7  }
0x5a: {  	[tilespmem:v1+s22+$0x0] =	vst.idx.add.f32.msk $0xffff, v0  }
0x5b: {  	v1 =	vld [tilespmem:$0xB0];
	_ =	sdelay $0x7  }
0x5c: {  	[tilespmem:v1+s22+$0x0] =	vst.idx.add.f32.msk $0xffff, v0  }
0x5d: {  	v1 =	vld [tilespmem:$0xC0];
	_ =	sdelay $0x7  }
0x5e: {  	[tilespmem:v1+s22+$0x0] =	vst.idx.add.f32.msk $0xffff, v0  }
0x5f: {  	_ =	swait.ge [sflag:s6], $0x2800  }
0x60: {  	[sflag:s6] =	ssyncset.done $0x0  }
0x61: {  	[sflag:s6] =	ssyncadd.s32 $0xFFFFD800  }
0x62: {  	_ =	swait.ge [sflag:s26], $0x80  }
0x63: {  	[sflag:s26] =	ssyncset.done $0x0  }
0x64: {  	s12 =	simm.s32 $0x100;
	s13 =	simm.s32 $0x0;
	[sflag:s26] =	ssyncadd.s32 $0xFFFFFF80  }
0x65: {  	[tilespmem:s29], [sflag:$0x3] =	stream.indirect.gather [hbm4b:s1+s28], $0x80, s24, s28, $0xb8;
	[tilespmem:$0x1FC00] =	vst v63  }
.LBB2_2:
0x66: {  	_ =	swait.ge [sflag:s30], $0x2800  }
0x67: {  	[sflag:s30] =	ssyncset.done $0x0  }
0x68: {  	[sflag:s30] =	ssyncadd.s32 $0xFFFFD800  }
0x69: {  	[spmem:s2] =	stream.indirect.scatter.add.f32 [tilespmem:s29], [sflag:$0x5], $0x80, s12, s28, $0xb8;
	[tilespmem:$0x1FC00] =	vst v63  }
0x6a: {  	s14 =	sadd.s32 s13, s19  }
0x6b: {  	[tilespmem:s24], [sflag:$0x1] =	stream.linear.gather [hbm4b:s14+s4], $0x80, $0x38;
	[tilespmem:$0x1FC00] =	vst v63  }
0x6c: {  	v1 =	vld [tilespmem:s12+$0x0];
	_ =	sdelay $0x7  }
0x6d: {  	[tilespmem:v1+s22+$0x0] =	vst.idx.add.f32.msk $0xffff, v0  }
0x6e: {  	v1 =	vld [tilespmem:s12+$0x10];
	_ =	sdelay $0x7  }
0x6f: {  	[tilespmem:v1+s22+$0x0] =	vst.idx.add.f32.msk $0xffff, v0  }
0x70: {  	v1 =	vld [tilespmem:s12+$0x20];
	_ =	sdelay $0x7  }
0x71: {  	[tilespmem:v1+s22+$0x0] =	vst.idx.add.f32.msk $0xffff, v0  }
0x72: {  	v1 =	vld [tilespmem:s12+$0x30];
	_ =	sdelay $0x7  }
0x73: {  	[tilespmem:v1+s22+$0x0] =	vst.idx.add.f32.msk $0xffff, v0  }
0x74: {  	v1 =	vld [tilespmem:s12+$0x40];
	_ =	sdelay $0x7  }
0x75: {  	[tilespmem:v1+s22+$0x0] =	vst.idx.add.f32.msk $0xffff, v0  }
0x76: {  	_ =	swait.ge [sflag:s7], $0x2800  }
0x77: {  	[sflag:s7] =	ssyncset.done $0x0  }
0x78: {  	[sflag:s7] =	ssyncadd.s32 $0xFFFFD800  }
0x79: {  	_ =	swait.ge [sflag:s31], $0x80  }
0x7a: {  	[sflag:s31] =	ssyncset.done $0x0  }
0x7b: {  	[sflag:s31] =	ssyncadd.s32 $0xFFFFFF80  }
0x7c: {  	[tilespmem:s0], [sflag:$0x4] =	stream.indirect.gather [hbm4b:s1+s28], $0x80, s25, s28, $0xb8;
	[tilespmem:$0x1FC00] =	vst v63  }
0x7d: {  	_ =	swait.ge [sflag:s3], $0x2800  }
0x7e: {  	[sflag:s3] =	ssyncset.done $0x0  }
0x7f: {  	s14 =	sadd.s32 $0x80, s12;
	[sflag:s3] =	ssyncadd.s32 $0xFFFFD800  }
0x80: {  	[spmem:s2] =	stream.indirect.scatter.add.f32 [tilespmem:s0], [sflag:$0x6], $0x80, s14, s28, $0xb8;
	[tilespmem:$0x1FC00] =	vst v63  }
0x81: {  	s14 =	sadd.s32 s13, s18  }
0x82: {  	[tilespmem:s25], [sflag:$0x2] =	stream.linear.gather [hbm4b:s14+s4], $0x80, $0x38;
	[tilespmem:$0x1FC00] =	vst v63  }
0x83: {  	v1 =	vld [tilespmem:s12+$0x80];
	_ =	sdelay $0x7  }
0x84: {  	[tilespmem:v1+s22+$0x0] =	vst.idx.add.f32.msk $0xffff, v0  }
0x85: {  	v1 =	vld [tilespmem:s12+$0x90];
	_ =	sdelay $0x7  }
0x86: {  	[tilespmem:v1+s22+$0x0] =	vst.idx.add.f32.msk $0xffff, v0  }
0x87: {  	v1 =	vld [tilespmem:s12+$0xA0];
	_ =	sdelay $0x7  }
0x88: {  	[tilespmem:v1+s22+$0x0] =	vst.idx.add.f32.msk $0xffff, v0  }
0x89: {  	v1 =	vld [tilespmem:s12+$0xB0];
	_ =	sdelay $0x7  }
0x8a: {  	[tilespmem:v1+s22+$0x0] =	vst.idx.add.f32.msk $0xffff, v0  }
0x8b: {  	v1 =	vld [tilespmem:s12+$0xC0];
	_ =	sdelay $0x7  }
0x8c: {  	[tilespmem:v1+s22+$0x0] =	vst.idx.add.f32.msk $0xffff, v0  }
0x8d: {  	_ =	swait.ge [sflag:s6], $0x2800  }
0x8e: {  	p1 =	sne.s32 s13, $0x760;
	[sflag:s6] =	ssyncset.done $0x0  }
.Ltmp0:
0x8f: {  	[sflag:s6] =	ssyncadd.s32 $0xFFFFD800;
	(pc) =	sbr.rel @p1 .LBB2_2-.Ltmp0, $4  }
0x90: {  	_ =	swait.ge [sflag:s26], $0x80  }
0x91: {  	[sflag:s26] =	ssyncset.done $0x0  }
0x92: {  	s13 =	sadd.s32 $0x20, s13;
	s12 =	sadd.s32 $0x100, s12;
	[sflag:s26] =	ssyncadd.s32 $0xFFFFFF80  }
0x93: {  	[tilespmem:s29], [sflag:$0x3] =	stream.indirect.gather [hbm4b:s1+s28], $0x80, s24, s28, $0xb8;
	[tilespmem:$0x1FC00] =	vst v63  }
0x94: {  	_ =	swait.ge [sflag:s30], $0x2800  }
0x95: {  	[sflag:s30] =	ssyncset.done $0x0  }
0x96: {  	s12 =	simm.s32 $0x3D00;
	[sflag:s30] =	ssyncadd.s32 $0xFFFFD800  }
0x97: {  	[spmem:s2] =	stream.indirect.scatter.add.f32 [tilespmem:s29], [sflag:$0x5], $0x80, s12, s28, $0xb8;
	[tilespmem:$0x1FC00] =	vst v63  }
0x98: {  	_ = 	snop  }
0x99: {  	[tilespmem:s24], [sflag:$0x1] =	stream.linear.gather [hbm4b:s17+s4], $0x80, $0x38;
	[tilespmem:$0x1FC00] =	vst v63  }
0x9a: {  	v1 =	vld [tilespmem:$0x3D00];
	_ =	sdelay $0x7  }
0x9b: {  	[tilespmem:v1+s22+$0x0] =	vst.idx.add.f32.msk $0xffff, v0  }
0x9c: {  	v1 =	vld [tilespmem:$0x3D10];
	_ =	sdelay $0x7  }
0x9d: {  	[tilespmem:v1+s22+$0x0] =	vst.idx.add.f32.msk $0xffff, v0  }
0x9e: {  	v1 =	vld [tilespmem:$0x3D20];
	_ =	sdelay $0x7  }
0x9f: {  	[tilespmem:v1+s22+$0x0] =	vst.idx.add.f32.msk $0xffff, v0  }
0xa0: {  	v1 =	vld [tilespmem:$0x3D30];
	_ =	sdelay $0x7  }
0xa1: {  	[tilespmem:v1+s22+$0x0] =	vst.idx.add.f32.msk $0xffff, v0  }
0xa2: {  	v1 =	vld [tilespmem:$0x3D40];
	_ =	sdelay $0x7  }
0xa3: {  	[tilespmem:v1+s22+$0x0] =	vst.idx.add.f32.msk $0xffff, v0  }
0xa4: {  	_ =	swait.ge [sflag:s7], $0x2800  }
0xa5: {  	[sflag:s7] =	ssyncset.done $0x0  }
0xa6: {  	[sflag:s7] =	ssyncadd.s32 $0xFFFFD800  }
0xa7: {  	_ =	swait.ge [sflag:s31], $0x80  }
0xa8: {  	[sflag:s31] =	ssyncset.done $0x0  }
0xa9: {  	[sflag:s31] =	ssyncadd.s32 $0xFFFFFF80  }
0xaa: {  	[tilespmem:s0], [sflag:$0x4] =	stream.indirect.gather [hbm4b:s1+s28], $0x80, s25, s28, $0xb8;
	[tilespmem:$0x1FC00] =	vst v63  }
0xab: {  	_ =	swait.ge [sflag:s3], $0x2800  }
0xac: {  	[sflag:s3] =	ssyncset.done $0x0  }
0xad: {  	s13 =	simm.s32 $0x3D80;
	[sflag:s3] =	ssyncadd.s32 $0xFFFFD800  }
0xae: {  	[spmem:s2] =	stream.indirect.scatter.add.f32 [tilespmem:s0], [sflag:$0x6], $0x80, s13, s28, $0xb8;
	[tilespmem:$0x1FC00] =	vst v63  }
0xaf: {  	v1 =	vld [tilespmem:$0x3D80];
	_ =	sdelay $0x7  }
0xb0: {  	[tilespmem:v1+s22+$0x0] =	vst.idx.add.f32.msk $0xffff, v0  }
0xb1: {  	v1 =	vld [tilespmem:$0x3D90];
	_ =	sdelay $0x7  }
0xb2: {  	[tilespmem:v1+s22+$0x0] =	vst.idx.add.f32.msk $0xffff, v0  }
0xb3: {  	v1 =	vld [tilespmem:$0x3DA0];
	_ =	sdelay $0x7  }
0xb4: {  	[tilespmem:v1+s22+$0x0] =	vst.idx.add.f32.msk $0xffff, v0  }
0xb5: {  	v1 =	vld [tilespmem:$0x3DB0];
	_ =	sdelay $0x7  }
0xb6: {  	[tilespmem:v1+s22+$0x0] =	vst.idx.add.f32.msk $0xffff, v0  }
0xb7: {  	v1 =	vld [tilespmem:$0x3DC0];
	_ =	sdelay $0x7  }
0xb8: {  	[tilespmem:v1+s22+$0x0] =	vst.idx.add.f32.msk $0xffff, v0  }
0xb9: {  	_ =	swait.ge [sflag:s6], $0x2800  }
0xba: {  	[sflag:s6] =	ssyncset.done $0x0  }
0xbb: {  	[sflag:s6] =	ssyncadd.s32 $0xFFFFD800  }
0xbc: {  	_ =	swait.ge [sflag:s26], $0x80  }
0xbd: {  	[sflag:s26] =	ssyncset.done $0x0  }
0xbe: {  	[sflag:s26] =	ssyncadd.s32 $0xFFFFFF80  }
0xbf: {  	[tilespmem:s29], [sflag:$0x3] =	stream.indirect.gather [hbm4b:s1+s28], $0x80, s24, s28, $0xb8;
	[tilespmem:$0x1FC00] =	vst v63  }
0xc0: {  	_ =	swait.ge [sflag:s30], $0x2800  }
0xc1: {  	[sflag:s30] =	ssyncset.done $0x0  }
0xc2: {  	s14 =	simm.s32 $0x3E00;
	[sflag:s30] =	ssyncadd.s32 $0xFFFFD800  }
0xc3: {  	[spmem:s2] =	stream.indirect.scatter.add.f32 [tilespmem:s29], [sflag:$0x5], $0x80, s14, s28, $0xb8;
	[tilespmem:$0x1FC00] =	vst v63  }
0xc4: {  	v1 =	vld [tilespmem:$0x3E00];
	_ =	sdelay $0x7  }
0xc5: {  	[tilespmem:v1+s22+$0x0] =	vst.idx.add.f32.msk $0xffff, v0  }
0xc6: {  	v1 =	vld [tilespmem:$0x3E10];
	_ =	sdelay $0x7  }
0xc7: {  	[tilespmem:v1+s22+$0x0] =	vst.idx.add.f32.msk $0xffff, v0  }
0xc8: {  	v1 =	vld [tilespmem:$0x3E20];
	_ =	sdelay $0x7  }
0xc9: {  	[tilespmem:v1+s22+$0x0] =	vst.idx.add.f32.msk $0xffff, v0  }
0xca: {  	v1 =	vld [tilespmem:$0x3E30];
	_ =	sdelay $0x7  }
0xcb: {  	[tilespmem:v1+s22+$0x0] =	vst.idx.add.f32.msk $0xffff, v0  }
0xcc: {  	v1 =	vld [tilespmem:$0x3E40];
	_ =	sdelay $0x7  }
0xcd: {  	[tilespmem:v1+s22+$0x0] =	vst.idx.add.f32.msk $0xffff, v0  }
0xce: {  	_ =	swait.ge [sflag:s7], $0x2800  }
0xcf: {  	[sflag:s7] =	ssyncset.done $0x0  }
0xd0: {  	[sflag:s7] =	ssyncadd.s32 $0xFFFFD800  }
0xd1: {  	_ =	swait.ge [sflag:s6], $0x2800  }
0xd2: {  	[sflag:s6] =	ssyncset.done $0x0  }
0xd3: {  	[sflag:s6] =	ssyncadd.s32 $0xFFFFD800  }
0xd4: {  	[spmem:s15] =	stream.indirect.scatter.add.f32 [tilespmem:s22], [sflag:$0x7], $0x80, s23, s28, $0xb8;
	[tilespmem:$0x1FC00] =	vst v63  }
0xd5: {  	_ =	swait.ge [sflag:s21], $0x2800  }
0xd6: {  	[sflag:s21] =	ssyncset.done $0x0  }
0xd7: {  	[sflag:s21] =	ssyncadd.s32 $0xFFFFD800  }
0xd8: {  	[bflag:$0x0] =	sbarrier.arrive $0xFFFF  }
0xd9: {  	s13 =	rddreg [dreg:$0x9]  }
0xda: {  	[hbm:s13], [sflag:s8] =	dma.local [spmem:s20], $0x2800  }
0xdb: {  	_ =	swait.ge [sflag:s21], $0x2800  }
0xdc: {  	[sflag:s21] =	ssyncset.done $0x0  }
0xdd: {  	s13 =	rddreg [dreg:$0xa];
	[sflag:s21] =	ssyncadd.s32 $0xFFFFD800  }
0xde: {  	[hbm:s13], [sflag:s8] =	dma.local @!p0 [spmem:s11], $0x500  }
0xdf: {  	s11 =	simm.s32 @!p0 $0x7  }
0xe0: {  	_ =	swait.ge @!p0 [sflag:s11], $0x500  }
0xe1: {  	s10 =	sadd.s32 $0x1, s10;
	s12 =	smov.u32 s15;
	s15 =	rddreg [dreg:$0xb]  }
0xe2: {  	p1 =	sne.s32 s10, s15  }
.Ltmp1:
0xe3: {  	_ = 	snop;
	(pc) =	sbr.rel @p1 .LBB2_1-.Ltmp1, $3  }
0xe4: {  	_ =	sdelay $0x1  }
0xe5: {  	[sflag:s11] =	ssyncset.done @!p0 $0x0  }
0xe6: {  	[sflag:s11] =	ssyncadd.s32 @!p0 $0xFFFFFB00  }
0xe7: {  	_ =	sfence.sel $0x180000  }
0xe8: {  	[bflag:$0x0] =	sbarrier.arrive $0xFFFF  }
0xe9: {  	_ =	strace $0x90000047  }
0xea: {  	[bflag:$0x2] =	sbarrier.arrive $0xFFFF  }
0xeb: {  	s0 =	rddreg [dreg:$0x4]  }
0xec: {  	s0 =	sadd.s32 @!p0 $0x100000, s0  }
0xed: {  	[sflag:s0] =	ssyncadd.tile.s32 @!p0 $0x1;
	_ =	shalt  }
.Lfunc_end2:
_tile_overlayer_lowered:
.L_overlay_start_2:
0xee: {  	(tag) =	ssettag $0x2  }
0xef: {  	s0 =	rddreg [dreg:$0x0];
	s2 =	stileid.u32  }
0xf0: {  	s1 =	rddreg [dreg:$0x1];
	p0 =	sne.s32 s2, $0x0  }
0xf1: {  	s3 =	rddreg [dreg:$0x2];
	[bflag:$0x3] =	sbarrier.arrive $0xFFFF;
	s2 =	simm.s32 @!p0 $0x1C07  }
0xf2: {  	[timem:s3], [sflag:s2] =	dma.local @!p0 [hbm:s0], s1  }
0xf3: {  	s0 =	simm.s32 @!p0 $0x7  }
0xf4: {  	_ =	swait.ge @!p0 [sflag:s0], s1  }
0xf5: {  	s1 =	ssub.s32 @!p0 $0x0, s1;
	[sflag:s0] =	ssyncset.done @!p0 $0x0  }
0xf6: {  	[sflag:s0] =	ssyncadd.s32 @!p0 s1  }
0xf7: {  	[bflag:$0x3] =	sbarrier.arrive $0xFFFF  }
0xf8: {  	_ =	shalt  }

// kernel: kernel.9.cloned.1.call-start
scs
__scs_entry_jumppad:
0x0: {  	(pc) =	sbr.rel $0x88, $3  }
0x1: {  	(tag) =	ssettag $0x0;
	lr =	simm.s32 $0x1  }
0x2: {  	[smem:$0x3F99] =	sst lr;
	_ =	strace $0xD0000000  }
0x3: {  	_ = 	snop  }
0x4: {  	_ = 	snop  }
0x5: {  	_ = 	snop  }
0x6: {  	_ = 	snop  }
0x7: {  	_ = 	snop  }
__scs_overlays_trampoline_lowered:
0x8: {  	[smem:$0x3FA8] =	sst s0  }
0x9: {  	[smem:$0x3FA9] =	sst s1  }
0xa: {  	[smem:$0x3FAA] =	sst s2  }
0xb: {  	[smem:$0x3FAB] =	sst s3  }
0xc: {  	[smem:$0x3FAC] =	sst s4  }
0xd: {  	[smem:$0x3FAD] =	sst s5  }
0xe: {  	[smem:$0x3FAE] =	sst s6  }
0xf: {  	[smem:$0x3FAF] =	sst s7  }
0x10: {  	[smem:$0x3FB0] =	sst s8  }
0x11: {  	[smem:$0x3FB1] =	sst s9;
	s0 =	simm.s32 @!p0 $0x0  }
0x12: {  	s1 =	sld [smem:$0x3F97];
	s0 =	simm.s32 @p0 $0x1  }
0x13: {  	[smem:$0x3FB2] =	sst s0;
	s0 =	simm.s32 @!p1 $0x0  }
0x14: {  	s2 =	sld [smem:$0x3F96];
	s0 =	simm.s32 @p1 $0x1  }
0x15: {  	[smem:$0x3FB3] =	sst s0;
	s0 =	simm.s32 @!p2 $0x0  }
0x16: {  	s3 =	sld [smem:$0x3FDB];
	s0 =	simm.s32 @p2 $0x1  }
0x17: {  	s4 =	simm.s32 $0x1BF5;
	[smem:$0x3FB5] =	sst s0  }
0x18: {  	s0 =	sld [smem:$0x3F98];
	_ =	swait.ge [sflag:s4], $0x0  }
0x19: {  	s7 =	sld [smem:$0x3F99]  }
0x1a: {  	s8 =	sadd.s32 $0xFFFFE003, lr  }
0x1b: {  	s9 =	sadd.s32 $0xFFFFFEF7, lr;
	s5 =	simm.s32 $0xFFFFFFFF;
	p2 =	slt.u32 s8, $0xFFFFF086  }
0x1c: {  	p1 =	slt.u32 s9, $0xF7A;
	s5 =	simm.s32 @!p2 $0x0  }
0x1d: {  	s5 =	simm.s32 @p1 $0x1;
	p0 =	seq.s32 s7, s2  }
0x1e: {  	s7 =	smul.u32 @!p0 $0xF7A, s2;
	p2 =	seq.s32 @!p0 s5, $0x0  }
0x1f: {  	s9 =	smul.u32 $0xF7A, s1;
	s8 =	simm.s32 @!p0 $0x1BF5;
	p2 =	por !p2, p0  }
0x20: {  	[sflag:s8] =	ssyncset.s32 @!p0 $0xFFFFF086;
	s6 =	sadd.s32 @!p0 s3, s7;
	s7 =	simm.s32 @!p0 $0x108  }
0x21: {  	s3 =	sadd.s32 s3, s9;
	s6 =	sadd.s32 @!p0 $0x88, s6;
	s7 =	simm.s32 @p2 $0x1082  }
0x22: {  	[simem:s7], [sflag:s8] =	dma.local @!p0 [hbm:s6], $0xF7A  }
0x23: {  	s9 =	sor.u32 $0xD0000000, s2;
	s6 =	simm.s32 $0x108;
	_ =	swait.ge @!p0 [sflag:s8], $0x0  }
0x24: {  	s3 =	sadd.s32 $0x88, s3;
	s6 =	simm.s32 @!p1 $0x1082;
	[sflag:s4] =	ssyncset.s32 $0xFFFFF086  }
0x25: {  	[simem:s6], [sflag:s4] =	dma.local [hbm:s3], $0xF7A  }
0x26: {  	[smem:$0x3F99] =	sst s1;
	(tag) =	ssettag s2;
	_ =	strace s9  }
0x27: {  	s1 =	sld [smem:$0x3FA9]  }
0x28: {  	s2 =	sld [smem:$0x3FAA]  }
0x29: {  	s4 =	sld [smem:$0x3FAC]  }
0x2a: {  	p0 =	seq.s32 s5, $0x0;
	s5 =	sld [smem:$0x3FAD]  }
0x2b: {  	s6 =	sld [smem:$0x3FAE]  }
0x2c: {  	s7 =	sld [smem:$0x3FAF]  }
0x2d: {  	s3 =	simm.s32 $0x108;
	s8 =	sld [smem:$0x3FB0]  }
0x2e: {  	s3 =	simm.s32 @!p0 $0x1082;
	s9 =	sld [smem:$0x3FB1]  }
0x2f: {  	lr =	sadd.s32 s0, s3;
	s0 =	sld [smem:$0x3FA8]  }
0x30: {  	s3 =	sld [smem:$0x3FAB]  }
0x31: {  	[smem:$0x3FB4] =	sst s10  }
0x32: {  	s10 =	sld [smem:$0x3FB2];
	_ =	sdelay $0x3  }
0x33: {  	p0 =	seq.s32 s10, $0x1;
	s10 =	sld [smem:$0x3FB4];
	_ =	sdelay $0x3  }
0x34: {  	[smem:$0x3FB4] =	sst s10  }
0x35: {  	s10 =	sld [smem:$0x3FB3];
	_ =	sdelay $0x3  }
0x36: {  	p1 =	seq.s32 s10, $0x1;
	s10 =	sld [smem:$0x3FB4];
	_ =	sdelay $0x3  }
0x37: {  	[smem:$0x3FB4] =	sst s10  }
0x38: {  	s10 =	sld [smem:$0x3FB5]  }
0x39: {  	_ = 	snop;
	(pc) =	sbr.ind lr, $3  }
0x3a: {  	_ = 	snop  }
0x3b: {  	_ = 	snop  }
0x3c: {  	p2 =	seq.s32 s10, $0x1;
	s10 =	sld [smem:$0x3FB4]  }
0x3d: {  	_ =	shalt  }
0x3e: {  	_ =	shalt  }
0x3f: {  	_ =	shalt  }
0x40: {  	_ =	shalt  }
0x41: {  	_ =	shalt  }
0x42: {  	_ =	shalt  }
0x43: {  	_ =	shalt  }
0x44: {  	_ =	shalt  }
0x45: {  	_ =	shalt  }
0x46: {  	_ =	shalt  }
0x47: {  	_ =	shalt  }
0x48: {  	_ =	shalt  }
0x49: {  	_ =	shalt  }
0x4a: {  	_ =	shalt  }
0x4b: {  	_ =	shalt  }
0x4c: {  	_ =	shalt  }
0x4d: {  	_ =	shalt  }
0x4e: {  	_ =	shalt  }
0x4f: {  	_ =	shalt  }
0x50: {  	_ =	shalt  }
0x51: {  	_ =	shalt  }
0x52: {  	_ =	shalt  }
0x53: {  	_ =	shalt  }
0x54: {  	_ =	shalt  }
0x55: {  	_ =	shalt  }
0x56: {  	_ =	shalt  }
0x57: {  	_ =	shalt  }
0x58: {  	_ =	shalt  }
0x59: {  	_ =	shalt  }
0x5a: {  	_ =	shalt  }
0x5b: {  	_ =	shalt  }
0x5c: {  	_ =	shalt  }
0x5d: {  	_ =	shalt  }
0x5e: {  	_ =	shalt  }
0x5f: {  	_ =	shalt  }
0x60: {  	_ =	shalt  }
0x61: {  	_ =	shalt  }
0x62: {  	_ =	shalt  }
0x63: {  	_ =	shalt  }
0x64: {  	_ =	shalt  }
0x65: {  	_ =	shalt  }
0x66: {  	_ =	shalt  }
0x67: {  	_ =	shalt  }
0x68: {  	_ =	shalt  }
0x69: {  	_ =	shalt  }
0x6a: {  	_ =	shalt  }
0x6b: {  	_ =	shalt  }
0x6c: {  	_ =	shalt  }
0x6d: {  	_ =	shalt  }
0x6e: {  	_ =	shalt  }
0x6f: {  	_ =	shalt  }
0x70: {  	_ =	shalt  }
0x71: {  	_ =	shalt  }
0x72: {  	_ =	shalt  }
0x73: {  	_ =	shalt  }
0x74: {  	_ =	shalt  }
0x75: {  	_ =	shalt  }
0x76: {  	_ =	shalt  }
0x77: {  	_ =	shalt  }
0x78: {  	_ =	shalt  }
0x79: {  	_ =	shalt  }
0x7a: {  	_ =	shalt  }
0x7b: {  	_ =	shalt  }
0x7c: {  	_ =	shalt  }
0x7d: {  	_ =	shalt  }
0x7e: {  	_ =	shalt  }
0x7f: {  	_ =	shalt  }
0x80: {  	_ =	shalt  }
0x81: {  	_ =	shalt  }
0x82: {  	_ =	shalt  }
0x83: {  	_ =	shalt  }
0x84: {  	_ =	shalt  }
0x85: {  	_ =	shalt  }
0x86: {  	_ =	shalt  }
0x87: {  	_ =	shalt  }
.Lfunc_end0:
.L_simem_size_0:
called_computation.1_lowered:
.L_overlay_start_0:
0x88: {  	s2 =	sld [smem:$0x3FD9]  }
0x89: {  	s3 =	sld [smem:$0x3FFE];
	_ =	sdelay $0x1  }
0x8a: {  	s1 =	srdreg.scid  }
0x8b: {  	s0 =	sand.u32 $0x1, s1  }
0x8c: {  	s17 =	sshll.u32 s0, $0xA;
	s2 =	sadd.s32 s3, s2  }
0x8d: {  	s2 =	sadd.s32 s2, s17  }
0x8e: {  	[smem:$0x3FC0] =	sst s2  }
0x8f: {  	_ = 	snop  }
0x90: {  	s2 =	sld [smem:$0x3FD0];
	(tm) =	ssettm $0x1  }
0x91: {  	s18 =	sld [smem:$0x3FFB];
	_ =	sdelay $0x3  }
0x92: {  	_ =	strace s18  }
0x93: {  	s3 =	sld [smem:$0x3FFC];
	_ =	sdelay $0x3  }
0x94: {  	_ =	strace s3  }
0x95: {  	s3 =	sld [smem:$0x3FFD];
	_ =	sdelay $0x3  }
0x96: {  	_ =	strace s3  }
0x97: {  	_ =	strace $0x8FFFFFFF  }
0x98: {  	s19 =	sld [smem:$0x3FDB];
	_ =	sdelay $0x1  }
0x99: {  	s4 =	simm.s32 $_scs_section_size  }
0x9a: {  	s5 =	simm.s32 $_size__tile_overlayer_lowered;
	s6 =	simm.s32 $_tile_overlayer_lowered  }
0x9b: {  	s22 =	simm.s32 $0x1BFF;
	s21 =	sshll.u32 s6, $0x1;
	s3 =	sadd.s32 s4, s19  }
0x9c: {  	s7 =	simm.s32 $0x0;
	s20 =	sshll.u32 s5, $0x1;
	s5 =	sadd.s32 s21, s3  }
0x9d: {  	[timem:s7], [sflag:s22] =	dma.local [hbm:s5], s20  }
0x9e: {  	_ =	swait.ge [sflag:s22], s20  }
0x9f: {  	s4 =	ssub.s32 $0x0, s20;
	[sflag:s22] =	ssyncset.done $0x0  }
0xa0: {  	[sflag:s22] =	ssyncadd.s32 s4;
	_ =	sdelay $0x1  }
0xa1: {  	s23 =	simm.s32 $0x1B8B  }
0xa2: {  	_ =	swait.ge [sflag:s23], $0x1  }
0xa3: {  	[sflag:s23] =	ssyncset.done $0x0  }
0xa4: {  	s25 =	simm.s32 $0x1B8E;
	s24 =	sld [smem:$0x3FFE];
	[sflag:s23] =	ssyncadd.s32 $0xFFFFFFFF  }
0xa5: {  	s26 =	simm.s32 $execute0_lowered;
	[smem:$0x3FD2] =	sst s25  }
0xa6: {  	s5 =	sshll.u32 s26, $0x1;
	_ =	strace $0x80000049;
	[dreg:$0x1] =	wrdreg $0xFFFFFFFF  }
0xa7: {  	s28 =	simm.s32 $_size_execute0_lowered;
	s3 =	sadd.s32 s3, s5;
	[dreg:$0x0] =	wrdreg $0x0  }
0xa8: {  	s5 =	sshll.u32 s28, $0x1;
	[dreg:$0x2] =	wrdreg s3  }
0xa9: {  	[dreg:$0x3] =	wrdreg s5  }
0xaa: {  	[dreg:$0x4] =	wrdreg $0xC0  }
0xab: {  	_ =	task [dreg:s7], $0x5FFFF  }
0xac: {  	[dreg:$0x1] =	wrdreg $0xFFFFFFFF  }
0xad: {  	[dreg:$0x0] =	wrdreg $0x60  }
0xae: {  	[dreg:$0x2] =	wrdreg s2  }
0xaf: {  	[dreg:$0x3] =	wrdreg s24  }
0xb0: {  	[dreg:$0x4] =	wrdreg $0x91000  }
0xb1: {  	[dreg:$0x5] =	wrdreg $0x9  }
0xb2: {  	_ =	task.clear_ibuf [dreg:s7], $0x6FFFF;
	_ =	strace $0x90000049  }
0xb3: {  	s29 =	simm.s32 $0x9;
	_ =	strace $0x8000004B  }
0xb4: {  	_ =	swait.ge [sflag:s29], $0x1  }
0xb5: {  	[sflag:s29] =	ssyncadd.s32 $0xFFFFFFFF  }
0xb6: {  	_ =	strace $0x9000004B  }
0xb7: {  	_ =	sfence  }
0xb8: {  	s30 =	sld [smem:$0x0];
	_ =	sdelay $0x2  }
0xb9: {  	s31 =	sshll.u32 s1, $0xD;
	s1 =	sshrl.u32 s1, $0x2  }
0xba: {  	s3 =	sand.u32 $0x4000, s31;
	s1 =	sadd.s32 s1, s30  }
0xbb: {  	s0 =	sor.u32 s3, s0;
	s1 =	sshll.u32 s1, $0x11  }
0xbc: {  	s0 =	sor.u32 s1, s0  }
0xbd: {  	s0 =	sadd.s32 $0x8F2B, s0  }
0xbe: {  	[sflag:s0] =	ssyncadd.remote.s32 $0x1  }
0xbf: {  	_ =	sfence.sel $0xFFFF  }
0xc0: {  	[dreg:$0x0] =	wrdreg $0xFFFFFFFF;
	(pc) =	sbr.abs _section_cstart, $3  }
0xc1: {  	[dreg:$0x1] =	wrdreg $0xFFFFFFFF  }
0xc2: {  	_ =	task.clear_ibuf [dreg:s7], $0x2FFFF;
	_ =	strace $0x9FFFFFFF  }
0xc3: {  	(tm) =	ssettm $0x7FFFFFFF  }
tec
execute0_lowered:
.L_overlay_start_1:
0x0: {  	(tag) =	ssettag $0x1  }
0x1: {  	s2 =	rddreg [dreg:$0x0]  }
0x2: {  	s0 =	rddreg [dreg:$0x1]  }
0x3: {  	s3 =	rddreg [dreg:$0x2]  }
0x4: {  	s1 =	srdreg.scid;
	s13 =	stileid.u32  }
0x5: {  	s4 =	simm.s32 $0x0;
	s18 =	simm.s32 $0x7;
	s19 =	simm.s32 $0x4000  }
0x6: {  	s28 =	simm.s32 $0x4;
	s30 =	simm.s32 $0x5;
	s31 =	simm.s32 $0x6  }
0x7: {  	s1 =	sand.u32 $0x1, s1;
	s5 =	sshll.u32 s13, $0x1;
	s6 =	smul.u32 $0x14000, s13  }
0x8: {  	[smem:$0x7FF] =	sst s4;
	s16 =	sadd.s32 $0x12400, s0;
	s21 =	smul.u32 $0x50000, s13  }
0x9: {  	s24 =	smul.u32 $0x7D00, s13;
	s25 =	sshll.u32 s13, $0x6;
	s5 =	sor.u32 s1, s5  }
0xa: {  	s8 =	smul.u32 $0x140000, s1;
	_ =	strace $0x8000004A;
	s10 =	ssub.s32 $0x2, s1  }
0xb: {  	s1 =	smul.u32 $0x3E80, s1;
	s7 =	sshll.u32 s5, $0xB;
	s20 =	sshrl.u32 s6, $0x3  }
0xc: {  	s11 =	sshrl.u32 s10, $0x1;
	s12 =	smul.u32 $0x3E80, s5;
	s9 =	sadd.s32 s7, s0  }
0xd: {  	s6 =	sadd.s32 s6, s8;
	s7 =	sadd.s32 s20, s0;
	s8 =	sshrl.u32 s21, $0x2  }
0xe: {  	s11 =	ssub.s32 s10, s11;
	s29 =	sadd.s32 s1, s24;
	s20 =	simm.s32 $0x4080  }
0xf: {  	s21 =	simm.s32 $0x1;
	s24 =	simm.s32 $0x3;
	s6 =	sshrl.u32 s6, $0x3  }
0x10: {  	s17 =	sadd.s32 s8, s3;
	s22 =	sadd.s32 $0x22000, s7;
	s23 =	sshrl.u32 s12, $0x3  }
0x11: {  	s7 =	sor.u32 $0x1C07, s25;
	s26 =	sadd.s32 $0x2400, s9;
	s11 =	smax.u32 s11, $0x1  }
0x12: {  	s1 =	sadd.s32 $0x280, s29;
	s25 =	simm.s32 $0x2;
	[dreg:$0x4] =	wrdreg s22  }
0x13: {  	s0 =	sadd.s32 s6, s0;
	s6 =	sadd.s32 s16, s23;
	[dreg:$0x5] =	wrdreg s26  }
0x14: {  	s1 =	sshrl.u32 s1, $0x3;
	s17 =	sshrl.u32 s17, $0x3;
	s22 =	simm.s32 $0x50  }
0x15: {  	s23 =	simm.s32 $0x4100;
	s26 =	simm.s32 $0x6900;
	s9 =	sadd.s32 $0x10, s6  }
0x16: {  	s10 =	sadd.s32 $0x4A000, s0;
	s12 =	sadd.s32 $0x20, s6;
	s0 =	sadd.s32 $0x200, s29  }
0x17: {  	s13 =	sadd.s32 $0x30, s6;
	s14 =	sadd.s32 $0x7C0, s6;
	s0 =	sshrl.u32 s0, $0x3  }
0x18: {  	s15 =	sadd.s32 s1, s16;
	s16 =	sadd.s32 s0, s16;
	s0 =	simm.s32 $0x0  }
.LBB2_1:
0x19: {  	s1 =	rddreg [dreg:$0x4]  }
0x1a: {  	[spmem:s17], [sflag:s7] =	dma.local [hbm:s1], $0x2800  }
0x1b: {  	_ =	swait.ge [sflag:s18], $0x2800  }
0x1c: {  	[sflag:s18] =	ssyncset.done $0x0  }
0x1d: {  	s5 =	rddreg [dreg:$0x5];
	[sflag:s18] =	ssyncadd.s32 $0xFFFFD800  }
0x1e: {  	[tilespmem:s4], [sflag:$0x7] =	stream.linear.gather [hbm4b:s5+s4], $0x3E80, $0x38;
	[tilespmem:$0x1D100] =	vst v63  }
0x1f: {  	_ =	swait.ge [sflag:s18], $0x3E80  }
0x20: {  	[sflag:s18] =	ssyncset.done $0x0  }
0x21: {  	[sflag:s18] =	ssyncadd.s32 $0xFFFFC180  }
0x22: {  	[bflag:$0x0] =	sbarrier.arrive $0xFFFF  }
0x23: {  	[tilespmem:s19], [sflag:$0x1] =	stream.linear.gather [hbm4b:s6+s4], $0x80, $0x38;
	[tilespmem:$0x1D100] =	vst v63  }
0x24: {  	_ = 	snop  }
0x25: {  	[tilespmem:s20], [sflag:$0x2] =	stream.linear.gather [hbm4b:s9+s4], $0x80, $0x38;
	[tilespmem:$0x1D100] =	vst v63  }
0x26: {  	_ =	swait.ge [sflag:s21], $0x80  }
0x27: {  	[sflag:s21] =	ssyncset.done $0x0  }
0x28: {  	[sflag:s21] =	ssyncadd.s32 $0xFFFFFF80  }
0x29: {  	[tilespmem:s23], [sflag:$0x3] =	stream.indirect.gather [hbm4b:s2+s22], $0x80, s19, s22, $0xb8;
	[tilespmem:$0x1D100] =	vst v63  }
0x2a: {  	_ =	swait.ge [sflag:s24], $0x2800  }
0x2b: {  	[sflag:s24] =	ssyncset.done $0x0  }
0x2c: {  	[sflag:s24] =	ssyncadd.s32 $0xFFFFD800  }
0x2d: {  	[spmem:s3] =	stream.indirect.scatter.add.f32 [tilespmem:s23], [sflag:$0x5], $0x80, s4, s22, $0xb8;
	[tilespmem:$0x1D100] =	vst v63  }
0x2e: {  	_ = 	snop  }
0x2f: {  	[tilespmem:s19], [sflag:$0x1] =	stream.linear.gather [hbm4b:s12+s4], $0x80, $0x38;
	[tilespmem:$0x1D100] =	vst v63  }
0x30: {  	_ =	swait.ge [sflag:s25], $0x80  }
0x31: {  	[sflag:s25] =	ssyncset.done $0x0  }
0x32: {  	[sflag:s25] =	ssyncadd.s32 $0xFFFFFF80  }
0x33: {  	[tilespmem:s26], [sflag:$0x4] =	stream.indirect.gather [hbm4b:s2+s22], $0x80, s20, s22, $0xb8;
	[tilespmem:$0x1D100] =	vst v63  }
0x34: {  	_ =	swait.ge [sflag:s28], $0x2800  }
0x35: {  	[sflag:s28] =	ssyncset.done $0x0  }
0x36: {  	s8 =	simm.s32 $0x80;
	[sflag:s28] =	ssyncadd.s32 $0xFFFFD800  }
0x37: {  	[spmem:s3] =	stream.indirect.scatter.add.f32 [tilespmem:s26], [sflag:$0x6], $0x80, s8, s22, $0xb8;
	[tilespmem:$0x1D100] =	vst v63  }
0x38: {  	_ = 	snop  }
0x39: {  	[tilespmem:s20], [sflag:$0x2] =	stream.linear.gather [hbm4b:s13+s4], $0x80, $0x38;
	[tilespmem:$0x1D100] =	vst v63  }
0x3a: {  	_ =	swait.ge [sflag:s30], $0x2800  }
0x3b: {  	[sflag:s30] =	ssyncset.done $0x0  }
0x3c: {  	[sflag:s30] =	ssyncadd.s32 $0xFFFFD800  }
0x3d: {  	_ =	swait.ge [sflag:s21], $0x80  }
0x3e: {  	[sflag:s21] =	ssyncset.done $0x0  }
0x3f: {  	[sflag:s21] =	ssyncadd.s32 $0xFFFFFF80  }
0x40: {  	[tilespmem:s23], [sflag:$0x3] =	stream.indirect.gather [hbm4b:s2+s22], $0x80, s19, s22, $0xb8;
	[tilespmem:$0x1D100] =	vst v63  }
0x41: {  	_ =	swait.ge [sflag:s24], $0x2800  }
0x42: {  	[sflag:s24] =	ssyncset.done $0x0  }
0x43: {  	s5 =	simm.s32 $0x100;
	[sflag:s24] =	ssyncadd.s32 $0xFFFFD800  }
0x44: {  	[spmem:s3] =	stream.indirect.scatter.add.f32 [tilespmem:s23], [sflag:$0x5], $0x80, s5, s22, $0xb8;
	[tilespmem:$0x1D100] =	vst v63  }
0x45: {  	s8 =	sadd.s32 $0x0, s16  }
0x46: {  	[tilespmem:s19], [sflag:$0x1] =	stream.linear.gather [hbm4b:s8+s4], $0x80, $0x38;
	[tilespmem:$0x1D100] =	vst v63  }
0x47: {  	_ =	swait.ge [sflag:s31], $0x2800  }
0x48: {  	[sflag:s31] =	ssyncset.done $0x0  }
0x49: {  	[sflag:s31] =	ssyncadd.s32 $0xFFFFD800  }
0x4a: {  	_ =	swait.ge [sflag:s25], $0x80  }
0x4b: {  	[sflag:s25] =	ssyncset.done $0x0  }
0x4c: {  	[sflag:s25] =	ssyncadd.s32 $0xFFFFFF80  }
0x4d: {  	[tilespmem:s26], [sflag:$0x4] =	stream.indirect.gather [hbm4b:s2+s22], $0x80, s20, s22, $0xb8;
	[tilespmem:$0x1D100] =	vst v63  }
0x4e: {  	_ =	swait.ge [sflag:s28], $0x2800  }
0x4f: {  	[sflag:s28] =	ssyncset.done $0x0  }
0x50: {  	s5 =	simm.s32 $0x180;
	[sflag:s28] =	ssyncadd.s32 $0xFFFFD800  }
0x51: {  	[spmem:s3] =	stream.indirect.scatter.add.f32 [tilespmem:s26], [sflag:$0x6], $0x80, s5, s22, $0xb8;
	[tilespmem:$0x1D100] =	vst v63  }
0x52: {  	s8 =	sadd.s32 $0x0, s15  }
0x53: {  	[tilespmem:s20], [sflag:$0x2] =	stream.linear.gather [hbm4b:s8+s4], $0x80, $0x38;
	[tilespmem:$0x1D100] =	vst v63  }
0x54: {  	_ =	swait.ge [sflag:s30], $0x2800  }
0x55: {  	[sflag:s30] =	ssyncset.done $0x0  }
0x56: {  	[sflag:s30] =	ssyncadd.s32 $0xFFFFD800  }
0x57: {  	_ =	swait.ge [sflag:s21], $0x80  }
0x58: {  	[sflag:s21] =	ssyncset.done $0x0  }
0x59: {  	s29 =	simm.s32 $0x280;
	s1 =	simm.s32 $0x20;
	[sflag:s21] =	ssyncadd.s32 $0xFFFFFF80  }
.LBB2_2:
0x5a: {  	[tilespmem:s23], [sflag:$0x3] =	stream.indirect.gather [hbm4b:s2+s22], $0x80, s19, s22, $0xb8;
	[tilespmem:$0x1D100] =	vst v63  }
0x5b: {  	s5 =	smov.u32 s1  }
0x5c: {  	p0 =	sne.s32 s1, $0x760;
	s1 =	sadd.s32 $0x20, s1;
	_ =	swait.ge [sflag:s24], $0x2800  }
0x5d: {  	[sflag:s24] =	ssyncset.done $0x0  }
0x5e: {  	s8 =	sadd.s32 $0xFFFFFF80, s29;
	[sflag:s24] =	ssyncadd.s32 $0xFFFFD800  }
0x5f: {  	[spmem:s3] =	stream.indirect.scatter.add.f32 [tilespmem:s23], [sflag:$0x5], $0x80, s8, s22, $0xb8;
	[tilespmem:$0x1D100] =	vst v63  }
0x60: {  	s8 =	sadd.s32 s5, s16  }
0x61: {  	[tilespmem:s19], [sflag:$0x1] =	stream.linear.gather [hbm4b:s8+s4], $0x80, $0x38;
	[tilespmem:$0x1D100] =	vst v63  }
0x62: {  	_ =	swait.ge [sflag:s31], $0x2800  }
0x63: {  	[sflag:s31] =	ssyncset.done $0x0  }
0x64: {  	[sflag:s31] =	ssyncadd.s32 $0xFFFFD800  }
0x65: {  	_ =	swait.ge [sflag:s25], $0x80  }
0x66: {  	[sflag:s25] =	ssyncset.done $0x0  }
0x67: {  	[sflag:s25] =	ssyncadd.s32 $0xFFFFFF80  }
0x68: {  	[tilespmem:s26], [sflag:$0x4] =	stream.indirect.gather [hbm4b:s2+s22], $0x80, s20, s22, $0xb8;
	[tilespmem:$0x1D100] =	vst v63  }
0x69: {  	_ =	swait.ge [sflag:s28], $0x2800  }
0x6a: {  	[sflag:s28] =	ssyncset.done $0x0  }
0x6b: {  	[sflag:s28] =	ssyncadd.s32 $0xFFFFD800  }
0x6c: {  	[spmem:s3] =	stream.indirect.scatter.add.f32 [tilespmem:s26], [sflag:$0x6], $0x80, s29, s22, $0xb8;
	[tilespmem:$0x1D100] =	vst v63  }
0x6d: {  	s5 =	sadd.s32 s5, s15  }
0x6e: {  	[tilespmem:s20], [sflag:$0x2] =	stream.linear.gather [hbm4b:s5+s4], $0x80, $0x38;
	[tilespmem:$0x1D100] =	vst v63  }
0x6f: {  	_ =	swait.ge [sflag:s30], $0x2800  }
.Ltmp0:
0x70: {  	[sflag:s30] =	ssyncset.done $0x0;
	(pc) =	sbr.rel @p0 .LBB2_2-.Ltmp0, $4  }
0x71: {  	[sflag:s30] =	ssyncadd.s32 $0xFFFFD800  }
0x72: {  	_ =	swait.ge [sflag:s21], $0x80  }
0x73: {  	[sflag:s21] =	ssyncset.done $0x0  }
0x74: {  	s29 =	sadd.s32 $0x100, s29;
	[sflag:s21] =	ssyncadd.s32 $0xFFFFFF80  }
0x75: {  	[tilespmem:s23], [sflag:$0x3] =	stream.indirect.gather [hbm4b:s2+s22], $0x80, s19, s22, $0xb8;
	[tilespmem:$0x1D100] =	vst v63  }
0x76: {  	_ =	swait.ge [sflag:s24], $0x2800  }
0x77: {  	[sflag:s24] =	ssyncset.done $0x0  }
0x78: {  	s1 =	simm.s32 $0x3D00;
	[sflag:s24] =	ssyncadd.s32 $0xFFFFD800  }
0x79: {  	[spmem:s3] =	stream.indirect.scatter.add.f32 [tilespmem:s23], [sflag:$0x5], $0x80, s1, s22, $0xb8;
	[tilespmem:$0x1D100] =	vst v63  }
0x7a: {  	_ = 	snop  }
0x7b: {  	[tilespmem:s19], [sflag:$0x1] =	stream.linear.gather [hbm4b:s14+s4], $0x80, $0x38;
	[tilespmem:$0x1D100] =	vst v63  }
0x7c: {  	_ =	swait.ge [sflag:s31], $0x2800  }
0x7d: {  	[sflag:s31] =	ssyncset.done $0x0  }
0x7e: {  	[sflag:s31] =	ssyncadd.s32 $0xFFFFD800  }
0x7f: {  	_ =	swait.ge [sflag:s25], $0x80  }
0x80: {  	[sflag:s25] =	ssyncset.done $0x0  }
0x81: {  	[sflag:s25] =	ssyncadd.s32 $0xFFFFFF80  }
0x82: {  	[tilespmem:s26], [sflag:$0x4] =	stream.indirect.gather [hbm4b:s2+s22], $0x80, s20, s22, $0xb8;
	[tilespmem:$0x1D100] =	vst v63  }
0x83: {  	_ =	swait.ge [sflag:s28], $0x2800  }
0x84: {  	[sflag:s28] =	ssyncset.done $0x0  }
0x85: {  	s8 =	simm.s32 $0x3D80;
	[sflag:s28] =	ssyncadd.s32 $0xFFFFD800  }
0x86: {  	[spmem:s3] =	stream.indirect.scatter.add.f32 [tilespmem:s26], [sflag:$0x6], $0x80, s8, s22, $0xb8;
	[tilespmem:$0x1D100] =	vst v63  }
0x87: {  	_ =	swait.ge [sflag:s30], $0x2800  }
0x88: {  	[sflag:s30] =	ssyncset.done $0x0  }
0x89: {  	[sflag:s30] =	ssyncadd.s32 $0xFFFFD800  }
0x8a: {  	_ =	swait.ge [sflag:s21], $0x80  }
0x8b: {  	[sflag:s21] =	ssyncset.done $0x0  }
0x8c: {  	[sflag:s21] =	ssyncadd.s32 $0xFFFFFF80  }
0x8d: {  	[tilespmem:s23], [sflag:$0x3] =	stream.indirect.gather [hbm4b:s2+s22], $0x80, s19, s22, $0xb8;
	[tilespmem:$0x1D100] =	vst v63  }
0x8e: {  	_ =	swait.ge [sflag:s24], $0x2800  }
0x8f: {  	[sflag:s24] =	ssyncset.done $0x0  }
0x90: {  	s29 =	simm.s32 $0x3E00;
	[sflag:s24] =	ssyncadd.s32 $0xFFFFD800  }
0x91: {  	[spmem:s3] =	stream.indirect.scatter.add.f32 [tilespmem:s23], [sflag:$0x5], $0x80, s29, s22, $0xb8;
	[tilespmem:$0x1D100] =	vst v63  }
0x92: {  	_ =	swait.ge [sflag:s31], $0x2800  }
0x93: {  	[sflag:s31] =	ssyncset.done $0x0  }
0x94: {  	[sflag:s31] =	ssyncadd.s32 $0xFFFFD800  }
0x95: {  	_ =	swait.ge [sflag:s30], $0x2800  }
0x96: {  	s0 =	sadd.s32 $0x1, s0;
	[sflag:s30] =	ssyncset.done $0x0  }
0x97: {  	p0 =	sne.s32 s0, s11;
	[sflag:s30] =	ssyncadd.s32 $0xFFFFD800  }
.Ltmp1:
0x98: {  	[bflag:$0x0] =	sbarrier.arrive $0xFFFF;
	(pc) =	sbr.rel @p0 .LBB2_1-.Ltmp1, $4  }
0x99: {  	[hbm:s10], [sflag:s7] =	dma.local [spmem:s17], $0x2800  }
0x9a: {  	_ =	swait.ge [sflag:s18], $0x2800  }
0x9b: {  	[sflag:s18] =	ssyncset.done $0x0  }
0x9c: {  	[sflag:s18] =	ssyncadd.s32 $0xFFFFD800  }
0x9d: {  	_ =	sfence.sel $0x180000  }
0x9e: {  	[bflag:$0x0] =	sbarrier.arrive $0xFFFF  }
0x9f: {  	_ =	strace $0x9000004A  }
0xa0: {  	s0 =	stileid.u32;
	[bflag:$0x2] =	sbarrier.arrive $0xFFFF  }
0xa1: {  	p0 =	sne.s32 s0, $0x0;
	s0 =	rddreg [dreg:$0x3]  }
0xa2: {  	s0 =	sadd.s32 @!p0 $0x100000, s0  }
0xa3: {  	[sflag:s0] =	ssyncadd.tile.s32 @!p0 $0x1;
	_ =	shalt  }
.Lfunc_end2:
_tile_overlayer_lowered:
.L_overlay_start_2:
0xa4: {  	(tag) =	ssettag $0x2  }
0xa5: {  	s0 =	rddreg [dreg:$0x0];
	s2 =	stileid.u32  }
0xa6: {  	s1 =	rddreg [dreg:$0x1];
	p0 =	sne.s32 s2, $0x0  }
0xa7: {  	s3 =	rddreg [dreg:$0x2];
	[bflag:$0x3] =	sbarrier.arrive $0xFFFF;
	s2 =	simm.s32 @!p0 $0x1C07  }
0xa8: {  	[timem:s3], [sflag:s2] =	dma.local @!p0 [hbm:s0], s1  }
0xa9: {  	s0 =	simm.s32 @!p0 $0x7  }
0xaa: {  	_ =	swait.ge @!p0 [sflag:s0], s1  }
0xab: {  	s1 =	ssub.s32 @!p0 $0x0, s1;
	[sflag:s0] =	ssyncset.done @!p0 $0x0  }
0xac: {  	[sflag:s0] =	ssyncadd.s32 @!p0 s1  }
0xad: {  	[bflag:$0x3] =	sbarrier.arrive $0xFFFF  }
0xae: {  	_ =	shalt  }

</sc_bundles>
